<compile_context>
chip_gen: v7x
topology: tpu7x:2x2x1
jax: 0.10.2.dev20260603
libtpu: 0.0.44.dev20260713+nightly
codegen_flags: <defaults>
</compile_context>

<pallas_src>
import functools

import jax
import jax.numpy as jnp
from jax import lax
from jax.experimental import pallas as pl
from jax.experimental.pallas import tpu as pltpu
from jax.experimental.pallas import tpu_sc as plsc

BATCH = 16384
N_IN = 16
N_RULES = 64
NUM_CORES = 2
NUM_SUBCORES = 16
NUM_WORKERS = NUM_CORES * NUM_SUBCORES
COLS_PER_WORKER = BATCH // NUM_WORKERS
LANES = 16
GROUPS = COLS_PER_WORKER // LANES


HALF = COLS_PER_WORKER // 2
QUARTER = COLS_PER_WORKER // 4
Q_GROUPS = QUARTER // LANES


def _body(xt_hbm, outt_hbm, in_v, out_v, isem0, isem1, osem0, osem1):
    wid = lax.axis_index("s") * NUM_CORES + lax.axis_index("c")
    base = wid * COLS_PER_WORKER

    hin0 = pltpu.async_copy(xt_hbm.at[:, pl.ds(base, HALF)],
                            in_v.at[:, pl.ds(0, HALF)], isem0)
    hin1 = pltpu.async_copy(xt_hbm.at[:, pl.ds(base + HALF, HALF)],
                            in_v.at[:, pl.ds(HALF, HALF)], isem1)
    hin0.wait()

    def group(g, carry):
        col = g * LANES
        vals = [in_v[p, pl.ds(col, LANES)] for p in range(N_IN)]
        a, c = vals[:8], vals[8:]
        for i in range(8):
            for j in range(8):
                out_v[i * 8 + j, pl.ds(col, LANES)] = jnp.minimum(a[i], c[j])
        return carry

    lax.fori_loop(0, 2 * Q_GROUPS, group, 0)
    h0 = pltpu.async_copy(out_v.at[:, pl.ds(0, HALF)],
                          outt_hbm.at[:, pl.ds(base, HALF)], osem0)
    hin1.wait()
    lax.fori_loop(2 * Q_GROUPS, 4 * Q_GROUPS, group, 0)
    h1 = pltpu.async_copy(out_v.at[:, pl.ds(HALF, HALF)],
                          outt_hbm.at[:, pl.ds(base + HALF, HALF)], osem1)
    h0.wait()
    h1.wait()


@functools.partial(jax.jit, static_argnames=())
def _run(xt):
    mesh = plsc.VectorSubcoreMesh(
        core_axis_name="c", subcore_axis_name="s",
        num_cores=NUM_CORES, num_subcores=NUM_SUBCORES,
    )
    k = pl.kernel(
        _body,
        out_type=jax.ShapeDtypeStruct((N_RULES, BATCH), jnp.float32),
        mesh=mesh,
        scratch_types=[
            pltpu.VMEM((N_IN, COLS_PER_WORKER), jnp.float32),
            pltpu.VMEM((N_RULES, COLS_PER_WORKER), jnp.float32),
            pltpu.SemaphoreType.DMA,
            pltpu.SemaphoreType.DMA,
            pltpu.SemaphoreType.DMA,
            pltpu.SemaphoreType.DMA,
        ],
        compiler_params=pltpu.CompilerParams(needs_layout_passes=False),
    )
    return k(xt)


def kernel(x):
    xt = x.transpose(1, 2, 0).reshape(N_IN, BATCH)
    return _run(xt).T

# --- scband reference (transcript-rebuilt; emitter-appended) ---
"""Pipeline reference for scband-antecedent-layer-15753940041980 (READ-ONLY COPY).

The authoritative reference and input builder live on the scoring server;
editing this copy changes nothing except your own understanding.
"""

import jax, jax.numpy as jnp
import numpy as np

# Rule index table: for each of 64 rules (i,j in 0..7), antecedent pairs [[0,i],[1,j]]
# Shape [1, n_rules=64, n_antecedents=2, 2] where last dim is (input_index, mf_index)
INDEXES = np.array([[[[0, i], [1, j]] for i in range(8) for j in range(8)]], dtype=np.int64).reshape(1, 64, 2, 2)

BATCH = 16384
N_INPUTS = 2
N_MFS = 8


def setup_inputs(seed: int = 0) -> dict:
    key = jax.random.key(seed)
    # membership values in [0, 1]
    x = jax.random.uniform(key, (BATCH, N_INPUTS, N_MFS), dtype=jnp.float32)
    return {"x": x}


def reference(x):
    # build: indices = tf.repeat(indexes, batch, axis=0) -> [B, R, A, 2]
    batch = x.shape[0]
    idx = jnp.repeat(jnp.asarray(INDEXES), batch, axis=0)
    # call: weights = tf.gather_nd(x, indices, batch_dims=1)
    # weights[b, r, a] = x[b, idx[b, r, a, 0], idx[b, r, a, 1]]
    input_idx = idx[..., 0]  # [B, R, A]
    mf_idx = idx[..., 1]     # [B, R, A]
    b_idx = jnp.arange(batch)[:, None, None]
    weights = x[b_idx, input_idx, mf_idx]  # [B, R, A]
    # reduce_min over antecedent axis
    return jnp.min(weights, axis=2)  # [B, R]

if __name__ == "__main__":
    import jax
    _d = setup_inputs()
    print(jax.jit(kernel)(*tuple(_d.values())))

</pallas_src>

<mosaic_0001>
#map = affine_map<(d0, d1) -> (0, 0)>
module attributes {stable_mosaic.version = 14 : i64} {
  func.func @_body(%arg0: i32, %arg1: i32, %arg2: memref<16x16384xf32, #tpu.memory_space<hbm>>, %arg3: memref<64x16384xf32, #tpu.memory_space<hbm>>, %arg4: memref<16x512xf32, #tpu.memory_space<vmem>>, %arg5: memref<64x512xf32, #tpu.memory_space<vmem>>, %arg6: memref<!tpu.dma_semaphore, #tpu.memory_space<semaphore_mem>>, %arg7: memref<!tpu.dma_semaphore, #tpu.memory_space<semaphore_mem>>, %arg8: memref<!tpu.dma_semaphore, #tpu.memory_space<semaphore_mem>>, %arg9: memref<!tpu.dma_semaphore, #tpu.memory_space<semaphore_mem>>) attributes {dimension_semantics = [#tpu.dimension_semantics<core_parallel>, #tpu.dimension_semantics<subcore_parallel>], iteration_bounds = array<i64: 2, 16>, scalar_prefetch = 0 : i64, scratch_operands = 6 : i64, tpu.core_type = #tpu.core_type<sc_vector_subcore>, window_params = [{transform_indices = #map}, {transform_indices = #map}]} {
    %mul3A = arith.constant 2 : i32
    %mul3A_0 = arith.muli %arg1, %mul3A : i32
    %add3A = arith.addi %mul3A_0, %arg0 : i32
    %mul3A_1 = arith.constant 512 : i32
    %mul3A_2 = arith.muli %add3A, %mul3A_1 : i32
    %dma_start3A = arith.constant 0 : i32
    %dma_start3A_3 = arith.constant 0 : i32
    %dma_start3A_4 = tpu.memref_slice %arg4[%dma_start3A, %dma_start3A_3] : memref<16x512xf32, #tpu.memory_space<vmem>> -> memref<16x256xf32, #tpu.memory_space<vmem>>
    %dma_start3A_5 = arith.constant 0 : i32
    %dma_start3A_6 = tpu.memref_slice %arg2[%dma_start3A_5, %mul3A_2] : memref<16x16384xf32, #tpu.memory_space<hbm>> -> memref<16x256xf32, #tpu.memory_space<hbm>>
    %dma_start3A_7 = arith.constant 0 : i32
    %dma_start3A_8 = arith.constant 0 : i32
    %dma_start3A_9 = tpu.memref_slice %arg4[%dma_start3A_7, %dma_start3A_8] : memref<16x512xf32, #tpu.memory_space<vmem>> -> memref<16x256xf32, #tpu.memory_space<vmem>>
    %dma_start3A_10 = arith.constant 0 : i32
    %dma_start3A_11 = tpu.memref_slice %arg2[%dma_start3A_10, %mul3A_2] : memref<16x16384xf32, #tpu.memory_space<hbm>> -> memref<16x256xf32, #tpu.memory_space<hbm>>
    tpu.enqueue_dma source(%dma_start3A_11 : memref<16x256xf32, #tpu.memory_space<hbm>>) target(%dma_start3A_9 : memref<16x256xf32, #tpu.memory_space<vmem>>) target_semaphore(%arg6 : memref<!tpu.dma_semaphore, #tpu.memory_space<semaphore_mem>>)
    %add3A_12 = arith.constant 256 : i32
    %add3A_13 = arith.addi %mul3A_2, %add3A_12 : i32
    %dma_start3A_14 = arith.constant 0 : i32
    %dma_start3A_15 = arith.constant 256 : i32
    %dma_start3A_16 = tpu.memref_slice %arg4[%dma_start3A_14, %dma_start3A_15] : memref<16x512xf32, #tpu.memory_space<vmem>> -> memref<16x256xf32, #tpu.memory_space<vmem>>
    %dma_start3A_17 = arith.constant 0 : i32
    %dma_start3A_18 = tpu.memref_slice %arg2[%dma_start3A_17, %add3A_13] : memref<16x16384xf32, #tpu.memory_space<hbm>> -> memref<16x256xf32, #tpu.memory_space<hbm>>
    %dma_start3A_19 = arith.constant 0 : i32
    %dma_start3A_20 = arith.constant 256 : i32
    %dma_start3A_21 = tpu.memref_slice %arg4[%dma_start3A_19, %dma_start3A_20] : memref<16x512xf32, #tpu.memory_space<vmem>> -> memref<16x256xf32, #tpu.memory_space<vmem>>
    %dma_start3A_22 = arith.constant 0 : i32
    %dma_start3A_23 = tpu.memref_slice %arg2[%dma_start3A_22, %add3A_13] : memref<16x16384xf32, #tpu.memory_space<hbm>> -> memref<16x256xf32, #tpu.memory_space<hbm>>
    tpu.enqueue_dma source(%dma_start3A_23 : memref<16x256xf32, #tpu.memory_space<hbm>>) target(%dma_start3A_21 : memref<16x256xf32, #tpu.memory_space<vmem>>) target_semaphore(%arg7 : memref<!tpu.dma_semaphore, #tpu.memory_space<semaphore_mem>>)
    %dma_wait3A = arith.constant 0 : i32
    %dma_wait3A_24 = arith.constant 0 : i32
    %dma_wait3A_25 = tpu.memref_slice %arg4[%dma_wait3A, %dma_wait3A_24] : memref<16x512xf32, #tpu.memory_space<vmem>> -> memref<16x256xf32, #tpu.memory_space<vmem>>
    %dma_wait3A_26 = arith.constant 0 : i32
    %dma_wait3A_27 = tpu.memref_slice %arg2[%dma_wait3A_26, %mul3A_2] : memref<16x16384xf32, #tpu.memory_space<hbm>> -> memref<16x256xf32, #tpu.memory_space<hbm>>
    %dma_wait3A_28 = arith.constant 0 : i32
    %dma_wait3A_29 = arith.constant 0 : i32
    %dma_wait3A_30 = tpu.memref_slice %arg4[%dma_wait3A_28, %dma_wait3A_29] : memref<16x512xf32, #tpu.memory_space<vmem>> -> memref<16x256xf32, #tpu.memory_space<vmem>>
    %dma_wait3A_31 = arith.constant 0 : i32
    %dma_wait3A_32 = tpu.memref_slice %arg2[%dma_wait3A_31, %mul3A_2] : memref<16x16384xf32, #tpu.memory_space<hbm>> -> memref<16x256xf32, #tpu.memory_space<hbm>>
    tpu.wait_dma2 semaphore(%arg6 : memref<!tpu.dma_semaphore, #tpu.memory_space<semaphore_mem>>) src(%dma_wait3A_32 : memref<16x256xf32, #tpu.memory_space<hbm>>) dst(%dma_wait3A_30 : memref<16x256xf32, #tpu.memory_space<vmem>>)
    %scan3A = arith.constant 0 : i32
    %scan3A_33 = arith.constant 0 : i32
    %scan3A_34 = arith.constant 16 : i32
    %scan3A_35 = arith.addi %scan3A_33, %scan3A_34 : i32
    %scan3A_36 = arith.constant 1 : i32
    scf.for %scan3A_96 = %scan3A_33 to %scan3A_35 step %scan3A_36  : i32 {
      %mul3A_97 = arith.constant 16 : i32
      %mul3A_98 = arith.muli %scan3A_96, %mul3A_97 : i32
      %get3A = arith.constant 0 : i32
      %get3A_99 = arith.index_cast %get3A : i32 to index
      %get3A_100 = arith.index_cast %mul3A_98 : i32 to index
      %get3A_101 = tpu.vector_load %arg4[%get3A_99, %get3A_100] {strides = array<i32>} : memref<16x512xf32, #tpu.memory_space<vmem>>, vector<16xf32>,
      %get3A_102 = arith.constant 1 : i32
      %get3A_103 = arith.index_cast %get3A_102 : i32 to index
      %get3A_104 = arith.index_cast %mul3A_98 : i32 to index
      %get3A_105 = tpu.vector_load %arg4[%get3A_103, %get3A_104] {strides = array<i32>} : memref<16x512xf32, #tpu.memory_space<vmem>>, vector<16xf32>,
      %get3A_106 = arith.constant 2 : i32
      %get3A_107 = arith.index_cast %get3A_106 : i32 to index
      %get3A_108 = arith.index_cast %mul3A_98 : i32 to index
      %get3A_109 = tpu.vector_load %arg4[%get3A_107, %get3A_108] {strides = array<i32>} : memref<16x512xf32, #tpu.memory_space<vmem>>, vector<16xf32>,
      %get3A_110 = arith.constant 3 : i32
      %get3A_111 = arith.index_cast %get3A_110 : i32 to index
      %get3A_112 = arith.index_cast %mul3A_98 : i32 to index
      %get3A_113 = tpu.vector_load %arg4[%get3A_111, %get3A_112] {strides = array<i32>} : memref<16x512xf32, #tpu.memory_space<vmem>>, vector<16xf32>,
      %get3A_114 = arith.constant 4 : i32
      %get3A_115 = arith.index_cast %get3A_114 : i32 to index
      %get3A_116 = arith.index_cast %mul3A_98 : i32 to index
      %get3A_117 = tpu.vector_load %arg4[%get3A_115, %get3A_116] {strides = array<i32>} : memref<16x512xf32, #tpu.memory_space<vmem>>, vector<16xf32>,
      %get3A_118 = arith.constant 5 : i32
      %get3A_119 = arith.index_cast %get3A_118 : i32 to index
      %get3A_120 = arith.index_cast %mul3A_98 : i32 to index
      %get3A_121 = tpu.vector_load %arg4[%get3A_119, %get3A_120] {strides = array<i32>} : memref<16x512xf32, #tpu.memory_space<vmem>>, vector<16xf32>,
      %get3A_122 = arith.constant 6 : i32
      %get3A_123 = arith.index_cast %get3A_122 : i32 to index
      %get3A_124 = arith.index_cast %mul3A_98 : i32 to index
      %get3A_125 = tpu.vector_load %arg4[%get3A_123, %get3A_124] {strides = array<i32>} : memref<16x512xf32, #tpu.memory_space<vmem>>, vector<16xf32>,
      %get3A_126 = arith.constant 7 : i32
      %get3A_127 = arith.index_cast %get3A_126 : i32 to index
      %get3A_128 = arith.index_cast %mul3A_98 : i32 to index
      %get3A_129 = tpu.vector_load %arg4[%get3A_127, %get3A_128] {strides = array<i32>} : memref<16x512xf32, #tpu.memory_space<vmem>>, vector<16xf32>,
      %get3A_130 = arith.constant 8 : i32
      %get3A_131 = arith.index_cast %get3A_130 : i32 to index
      %get3A_132 = arith.index_cast %mul3A_98 : i32 to index
      %get3A_133 = tpu.vector_load %arg4[%get3A_131, %get3A_132] {strides = array<i32>} : memref<16x512xf32, #tpu.memory_space<vmem>>, vector<16xf32>,
      %get3A_134 = arith.constant 9 : i32
      %get3A_135 = arith.index_cast %get3A_134 : i32 to index
      %get3A_136 = arith.index_cast %mul3A_98 : i32 to index
      %get3A_137 = tpu.vector_load %arg4[%get3A_135, %get3A_136] {strides = array<i32>} : memref<16x512xf32, #tpu.memory_space<vmem>>, vector<16xf32>,
      %get3A_138 = arith.constant 10 : i32
      %get3A_139 = arith.index_cast %get3A_138 : i32 to index
      %get3A_140 = arith.index_cast %mul3A_98 : i32 to index
      %get3A_141 = tpu.vector_load %arg4[%get3A_139, %get3A_140] {strides = array<i32>} : memref<16x512xf32, #tpu.memory_space<vmem>>, vector<16xf32>,
      %get3A_142 = arith.constant 11 : i32
      %get3A_143 = arith.index_cast %get3A_142 : i32 to index
      %get3A_144 = arith.index_cast %mul3A_98 : i32 to index
      %get3A_145 = tpu.vector_load %arg4[%get3A_143, %get3A_144] {strides = array<i32>} : memref<16x512xf32, #tpu.memory_space<vmem>>, vector<16xf32>,
      %get3A_146 = arith.constant 12 : i32
      %get3A_147 = arith.index_cast %get3A_146 : i32 to index
      %get3A_148 = arith.index_cast %mul3A_98 : i32 to index
      %get3A_149 = tpu.vector_load %arg4[%get3A_147, %get3A_148] {strides = array<i32>} : memref<16x512xf32, #tpu.memory_space<vmem>>, vector<16xf32>,
      %get3A_150 = arith.constant 13 : i32
      %get3A_151 = arith.index_cast %get3A_150 : i32 to index
      %get3A_152 = arith.index_cast %mul3A_98 : i32 to index
      %get3A_153 = tpu.vector_load %arg4[%get3A_151, %get3A_152] {strides = array<i32>} : memref<16x512xf32, #tpu.memory_space<vmem>>, vector<16xf32>,
      %get3A_154 = arith.constant 14 : i32
      %get3A_155 = arith.index_cast %get3A_154 : i32 to index
      %get3A_156 = arith.index_cast %mul3A_98 : i32 to index
      %get3A_157 = tpu.vector_load %arg4[%get3A_155, %get3A_156] {strides = array<i32>} : memref<16x512xf32, #tpu.memory_space<vmem>>, vector<16xf32>,
      %get3A_158 = arith.constant 15 : i32
      %get3A_159 = arith.index_cast %get3A_158 : i32 to index
      %get3A_160 = arith.index_cast %mul3A_98 : i32 to index
      %get3A_161 = tpu.vector_load %arg4[%get3A_159, %get3A_160] {strides = array<i32>} : memref<16x512xf32, #tpu.memory_space<vmem>>, vector<16xf32>,
      %min3A = arith.minimumf %get3A_101, %get3A_133 : vector<16xf32>
      %swap3A = arith.constant 0 : i32
      %swap3A_162 = arith.index_cast %swap3A : i32 to index
      %swap3A_163 = arith.index_cast %mul3A_98 : i32 to index
      %swap3A_164 = tpu.vector_load %arg5[%swap3A_162, %swap3A_163] {strides = array<i32>} : memref<64x512xf32, #tpu.memory_space<vmem>>, vector<16xf32>,
      tpu.vector_store %arg5[%swap3A_162, %swap3A_163], %min3A {strides = array<i32>} : memref<64x512xf32, #tpu.memory_space<vmem>>, vector<16xf32>,
      %min3A_165 = arith.minimumf %get3A_101, %get3A_137 : vector<16xf32>
      %swap3A_166 = arith.constant 1 : i32
      %swap3A_167 = arith.index_cast %swap3A_166 : i32 to index
      %swap3A_168 = arith.index_cast %mul3A_98 : i32 to index
      %swap3A_169 = tpu.vector_load %arg5[%swap3A_167, %swap3A_168] {strides = array<i32>} : memref<64x512xf32, #tpu.memory_space<vmem>>, vector<16xf32>,
      tpu.vector_store %arg5[%swap3A_167, %swap3A_168], %min3A_165 {strides = array<i32>} : memref<64x512xf32, #tpu.memory_space<vmem>>, vector<16xf32>,
      %min3A_170 = arith.minimumf %get3A_101, %get3A_141 : vector<16xf32>
      %swap3A_171 = arith.constant 2 : i32
      %swap3A_172 = arith.index_cast %swap3A_171 : i32 to index
      %swap3A_173 = arith.index_cast %mul3A_98 : i32 to index
      %swap3A_174 = tpu.vector_load %arg5[%swap3A_172, %swap3A_173] {strides = array<i32>} : memref<64x512xf32, #tpu.memory_space<vmem>>, vector<16xf32>,
      tpu.vector_store %arg5[%swap3A_172, %swap3A_173], %min3A_170 {strides = array<i32>} : memref<64x512xf32, #tpu.memory_space<vmem>>, vector<16xf32>,
      %min3A_175 = arith.minimumf %get3A_101, %get3A_145 : vector<16xf32>
      %swap3A_176 = arith.constant 3 : i32
      %swap3A_177 = arith.index_cast %swap3A_176 : i32 to index
      %swap3A_178 = arith.index_cast %mul3A_98 : i32 to index
      %swap3A_179 = tpu.vector_load %arg5[%swap3A_177, %swap3A_178] {strides = array<i32>} : memref<64x512xf32, #tpu.memory_space<vmem>>, vector<16xf32>,
      tpu.vector_store %arg5[%swap3A_177, %swap3A_178], %min3A_175 {strides = array<i32>} : memref<64x512xf32, #tpu.memory_space<vmem>>, vector<16xf32>,
      %min3A_180 = arith.minimumf %get3A_101, %get3A_149 : vector<16xf32>
      %swap3A_181 = arith.constant 4 : i32
      %swap3A_182 = arith.index_cast %swap3A_181 : i32 to index
      %swap3A_183 = arith.index_cast %mul3A_98 : i32 to index
      %swap3A_184 = tpu.vector_load %arg5[%swap3A_182, %swap3A_183] {strides = array<i32>} : memref<64x512xf32, #tpu.memory_space<vmem>>, vector<16xf32>,
      tpu.vector_store %arg5[%swap3A_182, %swap3A_183], %min3A_180 {strides = array<i32>} : memref<64x512xf32, #tpu.memory_space<vmem>>, vector<16xf32>,
      %min3A_185 = arith.minimumf %get3A_101, %get3A_153 : vector<16xf32>
      %swap3A_186 = arith.constant 5 : i32
      %swap3A_187 = arith.index_cast %swap3A_186 : i32 to index
      %swap3A_188 = arith.index_cast %mul3A_98 : i32 to index
      %swap3A_189 = tpu.vector_load %arg5[%swap3A_187, %swap3A_188] {strides = array<i32>} : memref<64x512xf32, #tpu.memory_space<vmem>>, vector<16xf32>,
      tpu.vector_store %arg5[%swap3A_187, %swap3A_188], %min3A_185 {strides = array<i32>} : memref<64x512xf32, #tpu.memory_space<vmem>>, vector<16xf32>,
      %min3A_190 = arith.minimumf %get3A_101, %get3A_157 : vector<16xf32>
      %swap3A_191 = arith.constant 6 : i32
      %swap3A_192 = arith.index_cast %swap3A_191 : i32 to index
      %swap3A_193 = arith.index_cast %mul3A_98 : i32 to index
      %swap3A_194 = tpu.vector_load %arg5[%swap3A_192, %swap3A_193] {strides = array<i32>} : memref<64x512xf32, #tpu.memory_space<vmem>>, vector<16xf32>,
      tpu.vector_store %arg5[%swap3A_192, %swap3A_193], %min3A_190 {strides = array<i32>} : memref<64x512xf32, #tpu.memory_space<vmem>>, vector<16xf32>,
      %min3A_195 = arith.minimumf %get3A_101, %get3A_161 : vector<16xf32>
      %swap3A_196 = arith.constant 7 : i32
      %swap3A_197 = arith.index_cast %swap3A_196 : i32 to index
      %swap3A_198 = arith.index_cast %mul3A_98 : i32 to index
      %swap3A_199 = tpu.vector_load %arg5[%swap3A_197, %swap3A_198] {strides = array<i32>} : memref<64x512xf32, #tpu.memory_space<vmem>>, vector<16xf32>,
      tpu.vector_store %arg5[%swap3A_197, %swap3A_198], %min3A_195 {strides = array<i32>} : memref<64x512xf32, #tpu.memory_space<vmem>>, vector<16xf32>,
      %min3A_200 = arith.minimumf %get3A_105, %get3A_133 : vector<16xf32>
      %swap3A_201 = arith.constant 8 : i32
      %swap3A_202 = arith.index_cast %swap3A_201 : i32 to index
      %swap3A_203 = arith.index_cast %mul3A_98 : i32 to index
      %swap3A_204 = tpu.vector_load %arg5[%swap3A_202, %swap3A_203] {strides = array<i32>} : memref<64x512xf32, #tpu.memory_space<vmem>>, vector<16xf32>,
      tpu.vector_store %arg5[%swap3A_202, %swap3A_203], %min3A_200 {strides = array<i32>} : memref<64x512xf32, #tpu.memory_space<vmem>>, vector<16xf32>,
      %min3A_205 = arith.minimumf %get3A_105, %get3A_137 : vector<16xf32>
      %swap3A_206 = arith.constant 9 : i32
      %swap3A_207 = arith.index_cast %swap3A_206 : i32 to index
      %swap3A_208 = arith.index_cast %mul3A_98 : i32 to index
      %swap3A_209 = tpu.vector_load %arg5[%swap3A_207, %swap3A_208] {strides = array<i32>} : memref<64x512xf32, #tpu.memory_space<vmem>>, vector<16xf32>,
      tpu.vector_store %arg5[%swap3A_207, %swap3A_208], %min3A_205 {strides = array<i32>} : memref<64x512xf32, #tpu.memory_space<vmem>>, vector<16xf32>,
      %min3A_210 = arith.minimumf %get3A_105, %get3A_141 : vector<16xf32>
      %swap3A_211 = arith.constant 10 : i32
      %swap3A_212 = arith.index_cast %swap3A_211 : i32 to index
      %swap3A_213 = arith.index_cast %mul3A_98 : i32 to index
      %swap3A_214 = tpu.vector_load %arg5[%swap3A_212, %swap3A_213] {strides = array<i32>} : memref<64x512xf32, #tpu.memory_space<vmem>>, vector<16xf32>,
      tpu.vector_store %arg5[%swap3A_212, %swap3A_213], %min3A_210 {strides = array<i32>} : memref<64x512xf32, #tpu.memory_space<vmem>>, vector<16xf32>,
      %min3A_215 = arith.minimumf %get3A_105, %get3A_145 : vector<16xf32>
      %swap3A_216 = arith.constant 11 : i32
      %swap3A_217 = arith.index_cast %swap3A_216 : i32 to index
      %swap3A_218 = arith.index_cast %mul3A_98 : i32 to index
      %swap3A_219 = tpu.vector_load %arg5[%swap3A_217, %swap3A_218] {strides = array<i32>} : memref<64x512xf32, #tpu.memory_space<vmem>>, vector<16xf32>,
      tpu.vector_store %arg5[%swap3A_217, %swap3A_218], %min3A_215 {strides = array<i32>} : memref<64x512xf32, #tpu.memory_space<vmem>>, vector<16xf32>,
      %min3A_220 = arith.minimumf %get3A_105, %get3A_149 : vector<16xf32>
      %swap3A_221 = arith.constant 12 : i32
      %swap3A_222 = arith.index_cast %swap3A_221 : i32 to index
      %swap3A_223 = arith.index_cast %mul3A_98 : i32 to index
      %swap3A_224 = tpu.vector_load %arg5[%swap3A_222, %swap3A_223] {strides = array<i32>} : memref<64x512xf32, #tpu.memory_space<vmem>>, vector<16xf32>,
      tpu.vector_store %arg5[%swap3A_222, %swap3A_223], %min3A_220 {strides = array<i32>} : memref<64x512xf32, #tpu.memory_space<vmem>>, vector<16xf32>,
      %min3A_225 = arith.minimumf %get3A_105, %get3A_153 : vector<16xf32>
      %swap3A_226 = arith.constant 13 : i32
      %swap3A_227 = arith.index_cast %swap3A_226 : i32 to index
      %swap3A_228 = arith.index_cast %mul3A_98 : i32 to index
      %swap3A_229 = tpu.vector_load %arg5[%swap3A_227, %swap3A_228] {strides = array<i32>} : memref<64x512xf32, #tpu.memory_space<vmem>>, vector<16xf32>,
      tpu.vector_store %arg5[%swap3A_227, %swap3A_228], %min3A_225 {strides = array<i32>} : memref<64x512xf32, #tpu.memory_space<vmem>>, vector<16xf32>,
      %min3A_230 = arith.minimumf %get3A_105, %get3A_157 : vector<16xf32>
      %swap3A_231 = arith.constant 14 : i32
      %swap3A_232 = arith.index_cast %swap3A_231 : i32 to index
      %swap3A_233 = arith.index_cast %mul3A_98 : i32 to index
      %swap3A_234 = tpu.vector_load %arg5[%swap3A_232, %swap3A_233] {strides = array<i32>} : memref<64x512xf32, #tpu.memory_space<vmem>>, vector<16xf32>,
      tpu.vector_store %arg5[%swap3A_232, %swap3A_233], %min3A_230 {strides = array<i32>} : memref<64x512xf32, #tpu.memory_space<vmem>>, vector<16xf32>,
      %min3A_235 = arith.minimumf %get3A_105, %get3A_161 : vector<16xf32>
      %swap3A_236 = arith.constant 15 : i32
      %swap3A_237 = arith.index_cast %swap3A_236 : i32 to index
      %swap3A_238 = arith.index_cast %mul3A_98 : i32 to index
      %swap3A_239 = tpu.vector_load %arg5[%swap3A_237, %swap3A_238] {strides = array<i32>} : memref<64x512xf32, #tpu.memory_space<vmem>>, vector<16xf32>,
      tpu.vector_store %arg5[%swap3A_237, %swap3A_238], %min3A_235 {strides = array<i32>} : memref<64x512xf32, #tpu.memory_space<vmem>>, vector<16xf32>,
      %min3A_240 = arith.minimumf %get3A_109, %get3A_133 : vector<16xf32>
      %swap3A_241 = arith.constant 16 : i32
      %swap3A_242 = arith.index_cast %swap3A_241 : i32 to index
      %swap3A_243 = arith.index_cast %mul3A_98 : i32 to index
      %swap3A_244 = tpu.vector_load %arg5[%swap3A_242, %swap3A_243] {strides = array<i32>} : memref<64x512xf32, #tpu.memory_space<vmem>>, vector<16xf32>,
      tpu.vector_store %arg5[%swap3A_242, %swap3A_243], %min3A_240 {strides = array<i32>} : memref<64x512xf32, #tpu.memory_space<vmem>>, vector<16xf32>,
      %min3A_245 = arith.minimumf %get3A_109, %get3A_137 : vector<16xf32>
      %swap3A_246 = arith.constant 17 : i32
      %swap3A_247 = arith.index_cast %swap3A_246 : i32 to index
      %swap3A_248 = arith.index_cast %mul3A_98 : i32 to index
      %swap3A_249 = tpu.vector_load %arg5[%swap3A_247, %swap3A_248] {strides = array<i32>} : memref<64x512xf32, #tpu.memory_space<vmem>>, vector<16xf32>,
      tpu.vector_store %arg5[%swap3A_247, %swap3A_248], %min3A_245 {strides = array<i32>} : memref<64x512xf32, #tpu.memory_space<vmem>>, vector<16xf32>,
      %min3A_250 = arith.minimumf %get3A_109, %get3A_141 : vector<16xf32>
      %swap3A_251 = arith.constant 18 : i32
      %swap3A_252 = arith.index_cast %swap3A_251 : i32 to index
      %swap3A_253 = arith.index_cast %mul3A_98 : i32 to index
      %swap3A_254 = tpu.vector_load %arg5[%swap3A_252, %swap3A_253] {strides = array<i32>} : memref<64x512xf32, #tpu.memory_space<vmem>>, vector<16xf32>,
      tpu.vector_store %arg5[%swap3A_252, %swap3A_253], %min3A_250 {strides = array<i32>} : memref<64x512xf32, #tpu.memory_space<vmem>>, vector<16xf32>,
      %min3A_255 = arith.minimumf %get3A_109, %get3A_145 : vector<16xf32>
      %swap3A_256 = arith.constant 19 : i32
      %swap3A_257 = arith.index_cast %swap3A_256 : i32 to index
      %swap3A_258 = arith.index_cast %mul3A_98 : i32 to index
      %swap3A_259 = tpu.vector_load %arg5[%swap3A_257, %swap3A_258] {strides = array<i32>} : memref<64x512xf32, #tpu.memory_space<vmem>>, vector<16xf32>,
      tpu.vector_store %arg5[%swap3A_257, %swap3A_258], %min3A_255 {strides = array<i32>} : memref<64x512xf32, #tpu.memory_space<vmem>>, vector<16xf32>,
      %min3A_260 = arith.minimumf %get3A_109, %get3A_149 : vector<16xf32>
      %swap3A_261 = arith.constant 20 : i32
      %swap3A_262 = arith.index_cast %swap3A_261 : i32 to index
      %swap3A_263 = arith.index_cast %mul3A_98 : i32 to index
      %swap3A_264 = tpu.vector_load %arg5[%swap3A_262, %swap3A_263] {strides = array<i32>} : memref<64x512xf32, #tpu.memory_space<vmem>>, vector<16xf32>,
      tpu.vector_store %arg5[%swap3A_262, %swap3A_263], %min3A_260 {strides = array<i32>} : memref<64x512xf32, #tpu.memory_space<vmem>>, vector<16xf32>,
      %min3A_265 = arith.minimumf %get3A_109, %get3A_153 : vector<16xf32>
      %swap3A_266 = arith.constant 21 : i32
      %swap3A_267 = arith.index_cast %swap3A_266 : i32 to index
      %swap3A_268 = arith.index_cast %mul3A_98 : i32 to index
      %swap3A_269 = tpu.vector_load %arg5[%swap3A_267, %swap3A_268] {strides = array<i32>} : memref<64x512xf32, #tpu.memory_space<vmem>>, vector<16xf32>,
      tpu.vector_store %arg5[%swap3A_267, %swap3A_268], %min3A_265 {strides = array<i32>} : memref<64x512xf32, #tpu.memory_space<vmem>>, vector<16xf32>,
      %min3A_270 = arith.minimumf %get3A_109, %get3A_157 : vector<16xf32>
      %swap3A_271 = arith.constant 22 : i32
      %swap3A_272 = arith.index_cast %swap3A_271 : i32 to index
      %swap3A_273 = arith.index_cast %mul3A_98 : i32 to index
      %swap3A_274 = tpu.vector_load %arg5[%swap3A_272, %swap3A_273] {strides = array<i32>} : memref<64x512xf32, #tpu.memory_space<vmem>>, vector<16xf32>,
      tpu.vector_store %arg5[%swap3A_272, %swap3A_273], %min3A_270 {strides = array<i32>} : memref<64x512xf32, #tpu.memory_space<vmem>>, vector<16xf32>,
      %min3A_275 = arith.minimumf %get3A_109, %get3A_161 : vector<16xf32>
      %swap3A_276 = arith.constant 23 : i32
      %swap3A_277 = arith.index_cast %swap3A_276 : i32 to index
      %swap3A_278 = arith.index_cast %mul3A_98 : i32 to index
      %swap3A_279 = tpu.vector_load %arg5[%swap3A_277, %swap3A_278] {strides = array<i32>} : memref<64x512xf32, #tpu.memory_space<vmem>>, vector<16xf32>,
      tpu.vector_store %arg5[%swap3A_277, %swap3A_278], %min3A_275 {strides = array<i32>} : memref<64x512xf32, #tpu.memory_space<vmem>>, vector<16xf32>,
      %min3A_280 = arith.minimumf %get3A_113, %get3A_133 : vector<16xf32>
      %swap3A_281 = arith.constant 24 : i32
      %swap3A_282 = arith.index_cast %swap3A_281 : i32 to index
      %swap3A_283 = arith.index_cast %mul3A_98 : i32 to index
      %swap3A_284 = tpu.vector_load %arg5[%swap3A_282, %swap3A_283] {strides = array<i32>} : memref<64x512xf32, #tpu.memory_space<vmem>>, vector<16xf32>,
      tpu.vector_store %arg5[%swap3A_282, %swap3A_283], %min3A_280 {strides = array<i32>} : memref<64x512xf32, #tpu.memory_space<vmem>>, vector<16xf32>,
      %min3A_285 = arith.minimumf %get3A_113, %get3A_137 : vector<16xf32>
      %swap3A_286 = arith.constant 25 : i32
      %swap3A_287 = arith.index_cast %swap3A_286 : i32 to index
      %swap3A_288 = arith.index_cast %mul3A_98 : i32 to index
      %swap3A_289 = tpu.vector_load %arg5[%swap3A_287, %swap3A_288] {strides = array<i32>} : memref<64x512xf32, #tpu.memory_space<vmem>>, vector<16xf32>,
      tpu.vector_store %arg5[%swap3A_287, %swap3A_288], %min3A_285 {strides = array<i32>} : memref<64x512xf32, #tpu.memory_space<vmem>>, vector<16xf32>,
      %min3A_290 = arith.minimumf %get3A_113, %get3A_141 : vector<16xf32>
      %swap3A_291 = arith.constant 26 : i32
      %swap3A_292 = arith.index_cast %swap3A_291 : i32 to index
      %swap3A_293 = arith.index_cast %mul3A_98 : i32 to index
      %swap3A_294 = tpu.vector_load %arg5[%swap3A_292, %swap3A_293] {strides = array<i32>} : memref<64x512xf32, #tpu.memory_space<vmem>>, vector<16xf32>,
      tpu.vector_store %arg5[%swap3A_292, %swap3A_293], %min3A_290 {strides = array<i32>} : memref<64x512xf32, #tpu.memory_space<vmem>>, vector<16xf32>,
      %min3A_295 = arith.minimumf %get3A_113, %get3A_145 : vector<16xf32>
      %swap3A_296 = arith.constant 27 : i32
      %swap3A_297 = arith.index_cast %swap3A_296 : i32 to index
      %swap3A_298 = arith.index_cast %mul3A_98 : i32 to index
      %swap3A_299 = tpu.vector_load %arg5[%swap3A_297, %swap3A_298] {strides = array<i32>} : memref<64x512xf32, #tpu.memory_space<vmem>>, vector<16xf32>,
      tpu.vector_store %arg5[%swap3A_297, %swap3A_298], %min3A_295 {strides = array<i32>} : memref<64x512xf32, #tpu.memory_space<vmem>>, vector<16xf32>,
      %min3A_300 = arith.minimumf %get3A_113, %get3A_149 : vector<16xf32>
      %swap3A_301 = arith.constant 28 : i32
      %swap3A_302 = arith.index_cast %swap3A_301 : i32 to index
      %swap3A_303 = arith.index_cast %mul3A_98 : i32 to index
      %swap3A_304 = tpu.vector_load %arg5[%swap3A_302, %swap3A_303] {strides = array<i32>} : memref<64x512xf32, #tpu.memory_space<vmem>>, vector<16xf32>,
      tpu.vector_store %arg5[%swap3A_302, %swap3A_303], %min3A_300 {strides = array<i32>} : memref<64x512xf32, #tpu.memory_space<vmem>>, vector<16xf32>,
      %min3A_305 = arith.minimumf %get3A_113, %get3A_153 : vector<16xf32>
      %swap3A_306 = arith.constant 29 : i32
      %swap3A_307 = arith.index_cast %swap3A_306 : i32 to index
      %swap3A_308 = arith.index_cast %mul3A_98 : i32 to index
      %swap3A_309 = tpu.vector_load %arg5[%swap3A_307, %swap3A_308] {strides = array<i32>} : memref<64x512xf32, #tpu.memory_space<vmem>>, vector<16xf32>,
      tpu.vector_store %arg5[%swap3A_307, %swap3A_308], %min3A_305 {strides = array<i32>} : memref<64x512xf32, #tpu.memory_space<vmem>>, vector<16xf32>,
      %min3A_310 = arith.minimumf %get3A_113, %get3A_157 : vector<16xf32>
      %swap3A_311 = arith.constant 30 : i32
      %swap3A_312 = arith.index_cast %swap3A_311 : i32 to index
      %swap3A_313 = arith.index_cast %mul3A_98 : i32 to index
      %swap3A_314 = tpu.vector_load %arg5[%swap3A_312, %swap3A_313] {strides = array<i32>} : memref<64x512xf32, #tpu.memory_space<vmem>>, vector<16xf32>,
      tpu.vector_store %arg5[%swap3A_312, %swap3A_313], %min3A_310 {strides = array<i32>} : memref<64x512xf32, #tpu.memory_space<vmem>>, vector<16xf32>,
      %min3A_315 = arith.minimumf %get3A_113, %get3A_161 : vector<16xf32>
      %swap3A_316 = arith.constant 31 : i32
      %swap3A_317 = arith.index_cast %swap3A_316 : i32 to index
      %swap3A_318 = arith.index_cast %mul3A_98 : i32 to index
      %swap3A_319 = tpu.vector_load %arg5[%swap3A_317, %swap3A_318] {strides = array<i32>} : memref<64x512xf32, #tpu.memory_space<vmem>>, vector<16xf32>,
      tpu.vector_store %arg5[%swap3A_317, %swap3A_318], %min3A_315 {strides = array<i32>} : memref<64x512xf32, #tpu.memory_space<vmem>>, vector<16xf32>,
      %min3A_320 = arith.minimumf %get3A_117, %get3A_133 : vector<16xf32>
      %swap3A_321 = arith.constant 32 : i32
      %swap3A_322 = arith.index_cast %swap3A_321 : i32 to index
      %swap3A_323 = arith.index_cast %mul3A_98 : i32 to index
      %swap3A_324 = tpu.vector_load %arg5[%swap3A_322, %swap3A_323] {strides = array<i32>} : memref<64x512xf32, #tpu.memory_space<vmem>>, vector<16xf32>,
      tpu.vector_store %arg5[%swap3A_322, %swap3A_323], %min3A_320 {strides = array<i32>} : memref<64x512xf32, #tpu.memory_space<vmem>>, vector<16xf32>,
      %min3A_325 = arith.minimumf %get3A_117, %get3A_137 : vector<16xf32>
      %swap3A_326 = arith.constant 33 : i32
      %swap3A_327 = arith.index_cast %swap3A_326 : i32 to index
      %swap3A_328 = arith.index_cast %mul3A_98 : i32 to index
      %swap3A_329 = tpu.vector_load %arg5[%swap3A_327, %swap3A_328] {strides = array<i32>} : memref<64x512xf32, #tpu.memory_space<vmem>>, vector<16xf32>,
      tpu.vector_store %arg5[%swap3A_327, %swap3A_328], %min3A_325 {strides = array<i32>} : memref<64x512xf32, #tpu.memory_space<vmem>>, vector<16xf32>,
      %min3A_330 = arith.minimumf %get3A_117, %get3A_141 : vector<16xf32>
      %swap3A_331 = arith.constant 34 : i32
      %swap3A_332 = arith.index_cast %swap3A_331 : i32 to index
      %swap3A_333 = arith.index_cast %mul3A_98 : i32 to index
      %swap3A_334 = tpu.vector_load %arg5[%swap3A_332, %swap3A_333] {strides = array<i32>} : memref<64x512xf32, #tpu.memory_space<vmem>>, vector<16xf32>,
      tpu.vector_store %arg5[%swap3A_332, %swap3A_333], %min3A_330 {strides = array<i32>} : memref<64x512xf32, #tpu.memory_space<vmem>>, vector<16xf32>,
      %min3A_335 = arith.minimumf %get3A_117, %get3A_145 : vector<16xf32>
      %swap3A_336 = arith.constant 35 : i32
      %swap3A_337 = arith.index_cast %swap3A_336 : i32 to index
      %swap3A_338 = arith.index_cast %mul3A_98 : i32 to index
      %swap3A_339 = tpu.vector_load %arg5[%swap3A_337, %swap3A_338] {strides = array<i32>} : memref<64x512xf32, #tpu.memory_space<vmem>>, vector<16xf32>,
      tpu.vector_store %arg5[%swap3A_337, %swap3A_338], %min3A_335 {strides = array<i32>} : memref<64x512xf32, #tpu.memory_space<vmem>>, vector<16xf32>,
      %min3A_340 = arith.minimumf %get3A_117, %get3A_149 : vector<16xf32>
      %swap3A_341 = arith.constant 36 : i32
      %swap3A_342 = arith.index_cast %swap3A_341 : i32 to index
      %swap3A_343 = arith.index_cast %mul3A_98 : i32 to index
      %swap3A_344 = tpu.vector_load %arg5[%swap3A_342, %swap3A_343] {strides = array<i32>} : memref<64x512xf32, #tpu.memory_space<vmem>>, vector<16xf32>,
      tpu.vector_store %arg5[%swap3A_342, %swap3A_343], %min3A_340 {strides = array<i32>} : memref<64x512xf32, #tpu.memory_space<vmem>>, vector<16xf32>,
      %min3A_345 = arith.minimumf %get3A_117, %get3A_153 : vector<16xf32>
      %swap3A_346 = arith.constant 37 : i32
      %swap3A_347 = arith.index_cast %swap3A_346 : i32 to index
      %swap3A_348 = arith.index_cast %mul3A_98 : i32 to index
      %swap3A_349 = tpu.vector_load %arg5[%swap3A_347, %swap3A_348] {strides = array<i32>} : memref<64x512xf32, #tpu.memory_space<vmem>>, vector<16xf32>,
      tpu.vector_store %arg5[%swap3A_347, %swap3A_348], %min3A_345 {strides = array<i32>} : memref<64x512xf32, #tpu.memory_space<vmem>>, vector<16xf32>,
      %min3A_350 = arith.minimumf %get3A_117, %get3A_157 : vector<16xf32>
      %swap3A_351 = arith.constant 38 : i32
      %swap3A_352 = arith.index_cast %swap3A_351 : i32 to index
      %swap3A_353 = arith.index_cast %mul3A_98 : i32 to index
      %swap3A_354 = tpu.vector_load %arg5[%swap3A_352, %swap3A_353] {strides = array<i32>} : memref<64x512xf32, #tpu.memory_space<vmem>>, vector<16xf32>,
      tpu.vector_store %arg5[%swap3A_352, %swap3A_353], %min3A_350 {strides = array<i32>} : memref<64x512xf32, #tpu.memory_space<vmem>>, vector<16xf32>,
      %min3A_355 = arith.minimumf %get3A_117, %get3A_161 : vector<16xf32>
      %swap3A_356 = arith.constant 39 : i32
      %swap3A_357 = arith.index_cast %swap3A_356 : i32 to index
      %swap3A_358 = arith.index_cast %mul3A_98 : i32 to index
      %swap3A_359 = tpu.vector_load %arg5[%swap3A_357, %swap3A_358] {strides = array<i32>} : memref<64x512xf32, #tpu.memory_space<vmem>>, vector<16xf32>,
      tpu.vector_store %arg5[%swap3A_357, %swap3A_358], %min3A_355 {strides = array<i32>} : memref<64x512xf32, #tpu.memory_space<vmem>>, vector<16xf32>,
      %min3A_360 = arith.minimumf %get3A_121, %get3A_133 : vector<16xf32>
      %swap3A_361 = arith.constant 40 : i32
      %swap3A_362 = arith.index_cast %swap3A_361 : i32 to index
      %swap3A_363 = arith.index_cast %mul3A_98 : i32 to index
      %swap3A_364 = tpu.vector_load %arg5[%swap3A_362, %swap3A_363] {strides = array<i32>} : memref<64x512xf32, #tpu.memory_space<vmem>>, vector<16xf32>,
      tpu.vector_store %arg5[%swap3A_362, %swap3A_363], %min3A_360 {strides = array<i32>} : memref<64x512xf32, #tpu.memory_space<vmem>>, vector<16xf32>,
      %min3A_365 = arith.minimumf %get3A_121, %get3A_137 : vector<16xf32>
      %swap3A_366 = arith.constant 41 : i32
      %swap3A_367 = arith.index_cast %swap3A_366 : i32 to index
      %swap3A_368 = arith.index_cast %mul3A_98 : i32 to index
      %swap3A_369 = tpu.vector_load %arg5[%swap3A_367, %swap3A_368] {strides = array<i32>} : memref<64x512xf32, #tpu.memory_space<vmem>>, vector<16xf32>,
      tpu.vector_store %arg5[%swap3A_367, %swap3A_368], %min3A_365 {strides = array<i32>} : memref<64x512xf32, #tpu.memory_space<vmem>>, vector<16xf32>,
      %min3A_370 = arith.minimumf %get3A_121, %get3A_141 : vector<16xf32>
      %swap3A_371 = arith.constant 42 : i32
      %swap3A_372 = arith.index_cast %swap3A_371 : i32 to index
      %swap3A_373 = arith.index_cast %mul3A_98 : i32 to index
      %swap3A_374 = tpu.vector_load %arg5[%swap3A_372, %swap3A_373] {strides = array<i32>} : memref<64x512xf32, #tpu.memory_space<vmem>>, vector<16xf32>,
      tpu.vector_store %arg5[%swap3A_372, %swap3A_373], %min3A_370 {strides = array<i32>} : memref<64x512xf32, #tpu.memory_space<vmem>>, vector<16xf32>,
      %min3A_375 = arith.minimumf %get3A_121, %get3A_145 : vector<16xf32>
      %swap3A_376 = arith.constant 43 : i32
      %swap3A_377 = arith.index_cast %swap3A_376 : i32 to index
      %swap3A_378 = arith.index_cast %mul3A_98 : i32 to index
      %swap3A_379 = tpu.vector_load %arg5[%swap3A_377, %swap3A_378] {strides = array<i32>} : memref<64x512xf32, #tpu.memory_space<vmem>>, vector<16xf32>,
      tpu.vector_store %arg5[%swap3A_377, %swap3A_378], %min3A_375 {strides = array<i32>} : memref<64x512xf32, #tpu.memory_space<vmem>>, vector<16xf32>,
      %min3A_380 = arith.minimumf %get3A_121, %get3A_149 : vector<16xf32>
      %swap3A_381 = arith.constant 44 : i32
      %swap3A_382 = arith.index_cast %swap3A_381 : i32 to index
      %swap3A_383 = arith.index_cast %mul3A_98 : i32 to index
      %swap3A_384 = tpu.vector_load %arg5[%swap3A_382, %swap3A_383] {strides = array<i32>} : memref<64x512xf32, #tpu.memory_space<vmem>>, vector<16xf32>,
      tpu.vector_store %arg5[%swap3A_382, %swap3A_383], %min3A_380 {strides = array<i32>} : memref<64x512xf32, #tpu.memory_space<vmem>>, vector<16xf32>,
      %min3A_385 = arith.minimumf %get3A_121, %get3A_153 : vector<16xf32>
      %swap3A_386 = arith.constant 45 : i32
      %swap3A_387 = arith.index_cast %swap3A_386 : i32 to index
      %swap3A_388 = arith.index_cast %mul3A_98 : i32 to index
      %swap3A_389 = tpu.vector_load %arg5[%swap3A_387, %swap3A_388] {strides = array<i32>} : memref<64x512xf32, #tpu.memory_space<vmem>>, vector<16xf32>,
      tpu.vector_store %arg5[%swap3A_387, %swap3A_388], %min3A_385 {strides = array<i32>} : memref<64x512xf32, #tpu.memory_space<vmem>>, vector<16xf32>,
      %min3A_390 = arith.minimumf %get3A_121, %get3A_157 : vector<16xf32>
      %swap3A_391 = arith.constant 46 : i32
      %swap3A_392 = arith.index_cast %swap3A_391 : i32 to index
      %swap3A_393 = arith.index_cast %mul3A_98 : i32 to index
      %swap3A_394 = tpu.vector_load %arg5[%swap3A_392, %swap3A_393] {strides = array<i32>} : memref<64x512xf32, #tpu.memory_space<vmem>>, vector<16xf32>,
      tpu.vector_store %arg5[%swap3A_392, %swap3A_393], %min3A_390 {strides = array<i32>} : memref<64x512xf32, #tpu.memory_space<vmem>>, vector<16xf32>,
      %min3A_395 = arith.minimumf %get3A_121, %get3A_161 : vector<16xf32>
      %swap3A_396 = arith.constant 47 : i32
      %swap3A_397 = arith.index_cast %swap3A_396 : i32 to index
      %swap3A_398 = arith.index_cast %mul3A_98 : i32 to index
      %swap3A_399 = tpu.vector_load %arg5[%swap3A_397, %swap3A_398] {strides = array<i32>} : memref<64x512xf32, #tpu.memory_space<vmem>>, vector<16xf32>,
      tpu.vector_store %arg5[%swap3A_397, %swap3A_398], %min3A_395 {strides = array<i32>} : memref<64x512xf32, #tpu.memory_space<vmem>>, vector<16xf32>,
      %min3A_400 = arith.minimumf %get3A_125, %get3A_133 : vector<16xf32>
      %swap3A_401 = arith.constant 48 : i32
      %swap3A_402 = arith.index_cast %swap3A_401 : i32 to index
      %swap3A_403 = arith.index_cast %mul3A_98 : i32 to index
      %swap3A_404 = tpu.vector_load %arg5[%swap3A_402, %swap3A_403] {strides = array<i32>} : memref<64x512xf32, #tpu.memory_space<vmem>>, vector<16xf32>,
      tpu.vector_store %arg5[%swap3A_402, %swap3A_403], %min3A_400 {strides = array<i32>} : memref<64x512xf32, #tpu.memory_space<vmem>>, vector<16xf32>,
      %min3A_405 = arith.minimumf %get3A_125, %get3A_137 : vector<16xf32>
      %swap3A_406 = arith.constant 49 : i32
      %swap3A_407 = arith.index_cast %swap3A_406 : i32 to index
      %swap3A_408 = arith.index_cast %mul3A_98 : i32 to index
      %swap3A_409 = tpu.vector_load %arg5[%swap3A_407, %swap3A_408] {strides = array<i32>} : memref<64x512xf32, #tpu.memory_space<vmem>>, vector<16xf32>,
      tpu.vector_store %arg5[%swap3A_407, %swap3A_408], %min3A_405 {strides = array<i32>} : memref<64x512xf32, #tpu.memory_space<vmem>>, vector<16xf32>,
      %min3A_410 = arith.minimumf %get3A_125, %get3A_141 : vector<16xf32>
      %swap3A_411 = arith.constant 50 : i32
      %swap3A_412 = arith.index_cast %swap3A_411 : i32 to index
      %swap3A_413 = arith.index_cast %mul3A_98 : i32 to index
      %swap3A_414 = tpu.vector_load %arg5[%swap3A_412, %swap3A_413] {strides = array<i32>} : memref<64x512xf32, #tpu.memory_space<vmem>>, vector<16xf32>,
      tpu.vector_store %arg5[%swap3A_412, %swap3A_413], %min3A_410 {strides = array<i32>} : memref<64x512xf32, #tpu.memory_space<vmem>>, vector<16xf32>,
      %min3A_415 = arith.minimumf %get3A_125, %get3A_145 : vector<16xf32>
      %swap3A_416 = arith.constant 51 : i32
      %swap3A_417 = arith.index_cast %swap3A_416 : i32 to index
      %swap3A_418 = arith.index_cast %mul3A_98 : i32 to index
      %swap3A_419 = tpu.vector_load %arg5[%swap3A_417, %swap3A_418] {strides = array<i32>} : memref<64x512xf32, #tpu.memory_space<vmem>>, vector<16xf32>,
      tpu.vector_store %arg5[%swap3A_417, %swap3A_418], %min3A_415 {strides = array<i32>} : memref<64x512xf32, #tpu.memory_space<vmem>>, vector<16xf32>,
      %min3A_420 = arith.minimumf %get3A_125, %get3A_149 : vector<16xf32>
      %swap3A_421 = arith.constant 52 : i32
      %swap3A_422 = arith.index_cast %swap3A_421 : i32 to index
      %swap3A_423 = arith.index_cast %mul3A_98 : i32 to index
      %swap3A_424 = tpu.vector_load %arg5[%swap3A_422, %swap3A_423] {strides = array<i32>} : memref<64x512xf32, #tpu.memory_space<vmem>>, vector<16xf32>,
      tpu.vector_store %arg5[%swap3A_422, %swap3A_423], %min3A_420 {strides = array<i32>} : memref<64x512xf32, #tpu.memory_space<vmem>>, vector<16xf32>,
      %min3A_425 = arith.minimumf %get3A_125, %get3A_153 : vector<16xf32>
      %swap3A_426 = arith.constant 53 : i32
      %swap3A_427 = arith.index_cast %swap3A_426 : i32 to index
      %swap3A_428 = arith.index_cast %mul3A_98 : i32 to index
      %swap3A_429 = tpu.vector_load %arg5[%swap3A_427, %swap3A_428] {strides = array<i32>} : memref<64x512xf32, #tpu.memory_space<vmem>>, vector<16xf32>,
      tpu.vector_store %arg5[%swap3A_427, %swap3A_428], %min3A_425 {strides = array<i32>} : memref<64x512xf32, #tpu.memory_space<vmem>>, vector<16xf32>,
      %min3A_430 = arith.minimumf %get3A_125, %get3A_157 : vector<16xf32>
      %swap3A_431 = arith.constant 54 : i32
      %swap3A_432 = arith.index_cast %swap3A_431 : i32 to index
      %swap3A_433 = arith.index_cast %mul3A_98 : i32 to index
      %swap3A_434 = tpu.vector_load %arg5[%swap3A_432, %swap3A_433] {strides = array<i32>} : memref<64x512xf32, #tpu.memory_space<vmem>>, vector<16xf32>,
      tpu.vector_store %arg5[%swap3A_432, %swap3A_433], %min3A_430 {strides = array<i32>} : memref<64x512xf32, #tpu.memory_space<vmem>>, vector<16xf32>,
      %min3A_435 = arith.minimumf %get3A_125, %get3A_161 : vector<16xf32>
      %swap3A_436 = arith.constant 55 : i32
      %swap3A_437 = arith.index_cast %swap3A_436 : i32 to index
      %swap3A_438 = arith.index_cast %mul3A_98 : i32 to index
      %swap3A_439 = tpu.vector_load %arg5[%swap3A_437, %swap3A_438] {strides = array<i32>} : memref<64x512xf32, #tpu.memory_space<vmem>>, vector<16xf32>,
      tpu.vector_store %arg5[%swap3A_437, %swap3A_438], %min3A_435 {strides = array<i32>} : memref<64x512xf32, #tpu.memory_space<vmem>>, vector<16xf32>,
      %min3A_440 = arith.minimumf %get3A_129, %get3A_133 : vector<16xf32>
      %swap3A_441 = arith.constant 56 : i32
      %swap3A_442 = arith.index_cast %swap3A_441 : i32 to index
      %swap3A_443 = arith.index_cast %mul3A_98 : i32 to index
      %swap3A_444 = tpu.vector_load %arg5[%swap3A_442, %swap3A_443] {strides = array<i32>} : memref<64x512xf32, #tpu.memory_space<vmem>>, vector<16xf32>,
      tpu.vector_store %arg5[%swap3A_442, %swap3A_443], %min3A_440 {strides = array<i32>} : memref<64x512xf32, #tpu.memory_space<vmem>>, vector<16xf32>,
      %min3A_445 = arith.minimumf %get3A_129, %get3A_137 : vector<16xf32>
      %swap3A_446 = arith.constant 57 : i32
      %swap3A_447 = arith.index_cast %swap3A_446 : i32 to index
      %swap3A_448 = arith.index_cast %mul3A_98 : i32 to index
      %swap3A_449 = tpu.vector_load %arg5[%swap3A_447, %swap3A_448] {strides = array<i32>} : memref<64x512xf32, #tpu.memory_space<vmem>>, vector<16xf32>,
      tpu.vector_store %arg5[%swap3A_447, %swap3A_448], %min3A_445 {strides = array<i32>} : memref<64x512xf32, #tpu.memory_space<vmem>>, vector<16xf32>,
      %min3A_450 = arith.minimumf %get3A_129, %get3A_141 : vector<16xf32>
      %swap3A_451 = arith.constant 58 : i32
      %swap3A_452 = arith.index_cast %swap3A_451 : i32 to index
      %swap3A_453 = arith.index_cast %mul3A_98 : i32 to index
      %swap3A_454 = tpu.vector_load %arg5[%swap3A_452, %swap3A_453] {strides = array<i32>} : memref<64x512xf32, #tpu.memory_space<vmem>>, vector<16xf32>,
      tpu.vector_store %arg5[%swap3A_452, %swap3A_453], %min3A_450 {strides = array<i32>} : memref<64x512xf32, #tpu.memory_space<vmem>>, vector<16xf32>,
      %min3A_455 = arith.minimumf %get3A_129, %get3A_145 : vector<16xf32>
      %swap3A_456 = arith.constant 59 : i32
      %swap3A_457 = arith.index_cast %swap3A_456 : i32 to index
      %swap3A_458 = arith.index_cast %mul3A_98 : i32 to index
      %swap3A_459 = tpu.vector_load %arg5[%swap3A_457, %swap3A_458] {strides = array<i32>} : memref<64x512xf32, #tpu.memory_space<vmem>>, vector<16xf32>,
      tpu.vector_store %arg5[%swap3A_457, %swap3A_458], %min3A_455 {strides = array<i32>} : memref<64x512xf32, #tpu.memory_space<vmem>>, vector<16xf32>,
      %min3A_460 = arith.minimumf %get3A_129, %get3A_149 : vector<16xf32>
      %swap3A_461 = arith.constant 60 : i32
      %swap3A_462 = arith.index_cast %swap3A_461 : i32 to index
      %swap3A_463 = arith.index_cast %mul3A_98 : i32 to index
      %swap3A_464 = tpu.vector_load %arg5[%swap3A_462, %swap3A_463] {strides = array<i32>} : memref<64x512xf32, #tpu.memory_space<vmem>>, vector<16xf32>,
      tpu.vector_store %arg5[%swap3A_462, %swap3A_463], %min3A_460 {strides = array<i32>} : memref<64x512xf32, #tpu.memory_space<vmem>>, vector<16xf32>,
      %min3A_465 = arith.minimumf %get3A_129, %get3A_153 : vector<16xf32>
      %swap3A_466 = arith.constant 61 : i32
      %swap3A_467 = arith.index_cast %swap3A_466 : i32 to index
      %swap3A_468 = arith.index_cast %mul3A_98 : i32 to index
      %swap3A_469 = tpu.vector_load %arg5[%swap3A_467, %swap3A_468] {strides = array<i32>} : memref<64x512xf32, #tpu.memory_space<vmem>>, vector<16xf32>,
      tpu.vector_store %arg5[%swap3A_467, %swap3A_468], %min3A_465 {strides = array<i32>} : memref<64x512xf32, #tpu.memory_space<vmem>>, vector<16xf32>,
      %min3A_470 = arith.minimumf %get3A_129, %get3A_157 : vector<16xf32>
      %swap3A_471 = arith.constant 62 : i32
      %swap3A_472 = arith.index_cast %swap3A_471 : i32 to index
      %swap3A_473 = arith.index_cast %mul3A_98 : i32 to index
      %swap3A_474 = tpu.vector_load %arg5[%swap3A_472, %swap3A_473] {strides = array<i32>} : memref<64x512xf32, #tpu.memory_space<vmem>>, vector<16xf32>,
      tpu.vector_store %arg5[%swap3A_472, %swap3A_473], %min3A_470 {strides = array<i32>} : memref<64x512xf32, #tpu.memory_space<vmem>>, vector<16xf32>,
      %min3A_475 = arith.minimumf %get3A_129, %get3A_161 : vector<16xf32>
      %swap3A_476 = arith.constant 63 : i32
      %swap3A_477 = arith.index_cast %swap3A_476 : i32 to index
      %swap3A_478 = arith.index_cast %mul3A_98 : i32 to index
      %swap3A_479 = tpu.vector_load %arg5[%swap3A_477, %swap3A_478] {strides = array<i32>} : memref<64x512xf32, #tpu.memory_space<vmem>>, vector<16xf32>,
      tpu.vector_store %arg5[%swap3A_477, %swap3A_478], %min3A_475 {strides = array<i32>} : memref<64x512xf32, #tpu.memory_space<vmem>>, vector<16xf32>,
    }
    %scan3A_37 = arith.constant 16 : i32
    %dma_start3A_38 = arith.constant 0 : i32
    %dma_start3A_39 = arith.constant 0 : i32
    %dma_start3A_40 = tpu.memref_slice %arg5[%dma_start3A_38, %dma_start3A_39] : memref<64x512xf32, #tpu.memory_space<vmem>> -> memref<64x256xf32, #tpu.memory_space<vmem>>
    %dma_start3A_41 = arith.constant 0 : i32
    %dma_start3A_42 = tpu.memref_slice %arg3[%dma_start3A_41, %mul3A_2] : memref<64x16384xf32, #tpu.memory_space<hbm>> -> memref<64x256xf32, #tpu.memory_space<hbm>>
    %dma_start3A_43 = arith.constant 0 : i32
    %dma_start3A_44 = tpu.memref_slice %arg3[%dma_start3A_43, %mul3A_2] : memref<64x16384xf32, #tpu.memory_space<hbm>> -> memref<64x256xf32, #tpu.memory_space<hbm>>
    %dma_start3A_45 = arith.constant 0 : i32
    %dma_start3A_46 = arith.constant 0 : i32
    %dma_start3A_47 = tpu.memref_slice %arg5[%dma_start3A_45, %dma_start3A_46] : memref<64x512xf32, #tpu.memory_space<vmem>> -> memref<64x256xf32, #tpu.memory_space<vmem>>
    tpu.enqueue_dma source(%dma_start3A_47 : memref<64x256xf32, #tpu.memory_space<vmem>>) target(%dma_start3A_44 : memref<64x256xf32, #tpu.memory_space<hbm>>) target_semaphore(%arg8 : memref<!tpu.dma_semaphore, #tpu.memory_space<semaphore_mem>>)
    %dma_wait3A_48 = arith.constant 0 : i32
    %dma_wait3A_49 = arith.constant 256 : i32
    %dma_wait3A_50 = tpu.memref_slice %arg4[%dma_wait3A_48, %dma_wait3A_49] : memref<16x512xf32, #tpu.memory_space<vmem>> -> memref<16x256xf32, #tpu.memory_space<vmem>>
    %dma_wait3A_51 = arith.constant 0 : i32
    %dma_wait3A_52 = tpu.memref_slice %arg2[%dma_wait3A_51, %add3A_13] : memref<16x16384xf32, #tpu.memory_space<hbm>> -> memref<16x256xf32, #tpu.memory_space<hbm>>
    %dma_wait3A_53 = arith.constant 0 : i32
    %dma_wait3A_54 = arith.constant 256 : i32
    %dma_wait3A_55 = tpu.memref_slice %arg4[%dma_wait3A_53, %dma_wait3A_54] : memref<16x512xf32, #tpu.memory_space<vmem>> -> memref<16x256xf32, #tpu.memory_space<vmem>>
    %dma_wait3A_56 = arith.constant 0 : i32
    %dma_wait3A_57 = tpu.memref_slice %arg2[%dma_wait3A_56, %add3A_13] : memref<16x16384xf32, #tpu.memory_space<hbm>> -> memref<16x256xf32, #tpu.memory_space<hbm>>
    tpu.wait_dma2 semaphore(%arg7 : memref<!tpu.dma_semaphore, #tpu.memory_space<semaphore_mem>>) src(%dma_wait3A_57 : memref<16x256xf32, #tpu.memory_space<hbm>>) dst(%dma_wait3A_55 : memref<16x256xf32, #tpu.memory_space<vmem>>)
    %scan3A_58 = arith.constant 0 : i32
    %scan3A_59 = arith.constant 16 : i32
    %scan3A_60 = arith.constant 16 : i32
    %scan3A_61 = arith.addi %scan3A_59, %scan3A_60 : i32
    %scan3A_62 = arith.constant 1 : i32
    scf.for %scan3A_96 = %scan3A_59 to %scan3A_61 step %scan3A_62  : i32 {
      %mul3A_97 = arith.constant 16 : i32
      %mul3A_98 = arith.muli %scan3A_96, %mul3A_97 : i32
      %get3A = arith.constant 0 : i32
      %get3A_99 = arith.index_cast %get3A : i32 to index
      %get3A_100 = arith.index_cast %mul3A_98 : i32 to index
      %get3A_101 = tpu.vector_load %arg4[%get3A_99, %get3A_100] {strides = array<i32>} : memref<16x512xf32, #tpu.memory_space<vmem>>, vector<16xf32>,
      %get3A_102 = arith.constant 1 : i32
      %get3A_103 = arith.index_cast %get3A_102 : i32 to index
      %get3A_104 = arith.index_cast %mul3A_98 : i32 to index
      %get3A_105 = tpu.vector_load %arg4[%get3A_103, %get3A_104] {strides = array<i32>} : memref<16x512xf32, #tpu.memory_space<vmem>>, vector<16xf32>,
      %get3A_106 = arith.constant 2 : i32
      %get3A_107 = arith.index_cast %get3A_106 : i32 to index
      %get3A_108 = arith.index_cast %mul3A_98 : i32 to index
      %get3A_109 = tpu.vector_load %arg4[%get3A_107, %get3A_108] {strides = array<i32>} : memref<16x512xf32, #tpu.memory_space<vmem>>, vector<16xf32>,
      %get3A_110 = arith.constant 3 : i32
      %get3A_111 = arith.index_cast %get3A_110 : i32 to index
      %get3A_112 = arith.index_cast %mul3A_98 : i32 to index
      %get3A_113 = tpu.vector_load %arg4[%get3A_111, %get3A_112] {strides = array<i32>} : memref<16x512xf32, #tpu.memory_space<vmem>>, vector<16xf32>,
      %get3A_114 = arith.constant 4 : i32
      %get3A_115 = arith.index_cast %get3A_114 : i32 to index
      %get3A_116 = arith.index_cast %mul3A_98 : i32 to index
      %get3A_117 = tpu.vector_load %arg4[%get3A_115, %get3A_116] {strides = array<i32>} : memref<16x512xf32, #tpu.memory_space<vmem>>, vector<16xf32>,
      %get3A_118 = arith.constant 5 : i32
      %get3A_119 = arith.index_cast %get3A_118 : i32 to index
      %get3A_120 = arith.index_cast %mul3A_98 : i32 to index
      %get3A_121 = tpu.vector_load %arg4[%get3A_119, %get3A_120] {strides = array<i32>} : memref<16x512xf32, #tpu.memory_space<vmem>>, vector<16xf32>,
      %get3A_122 = arith.constant 6 : i32
      %get3A_123 = arith.index_cast %get3A_122 : i32 to index
      %get3A_124 = arith.index_cast %mul3A_98 : i32 to index
      %get3A_125 = tpu.vector_load %arg4[%get3A_123, %get3A_124] {strides = array<i32>} : memref<16x512xf32, #tpu.memory_space<vmem>>, vector<16xf32>,
      %get3A_126 = arith.constant 7 : i32
      %get3A_127 = arith.index_cast %get3A_126 : i32 to index
      %get3A_128 = arith.index_cast %mul3A_98 : i32 to index
      %get3A_129 = tpu.vector_load %arg4[%get3A_127, %get3A_128] {strides = array<i32>} : memref<16x512xf32, #tpu.memory_space<vmem>>, vector<16xf32>,
      %get3A_130 = arith.constant 8 : i32
      %get3A_131 = arith.index_cast %get3A_130 : i32 to index
      %get3A_132 = arith.index_cast %mul3A_98 : i32 to index
      %get3A_133 = tpu.vector_load %arg4[%get3A_131, %get3A_132] {strides = array<i32>} : memref<16x512xf32, #tpu.memory_space<vmem>>, vector<16xf32>,
      %get3A_134 = arith.constant 9 : i32
      %get3A_135 = arith.index_cast %get3A_134 : i32 to index
      %get3A_136 = arith.index_cast %mul3A_98 : i32 to index
      %get3A_137 = tpu.vector_load %arg4[%get3A_135, %get3A_136] {strides = array<i32>} : memref<16x512xf32, #tpu.memory_space<vmem>>, vector<16xf32>,
      %get3A_138 = arith.constant 10 : i32
      %get3A_139 = arith.index_cast %get3A_138 : i32 to index
      %get3A_140 = arith.index_cast %mul3A_98 : i32 to index
      %get3A_141 = tpu.vector_load %arg4[%get3A_139, %get3A_140] {strides = array<i32>} : memref<16x512xf32, #tpu.memory_space<vmem>>, vector<16xf32>,
      %get3A_142 = arith.constant 11 : i32
      %get3A_143 = arith.index_cast %get3A_142 : i32 to index
      %get3A_144 = arith.index_cast %mul3A_98 : i32 to index
      %get3A_145 = tpu.vector_load %arg4[%get3A_143, %get3A_144] {strides = array<i32>} : memref<16x512xf32, #tpu.memory_space<vmem>>, vector<16xf32>,
      %get3A_146 = arith.constant 12 : i32
      %get3A_147 = arith.index_cast %get3A_146 : i32 to index
      %get3A_148 = arith.index_cast %mul3A_98 : i32 to index
      %get3A_149 = tpu.vector_load %arg4[%get3A_147, %get3A_148] {strides = array<i32>} : memref<16x512xf32, #tpu.memory_space<vmem>>, vector<16xf32>,
      %get3A_150 = arith.constant 13 : i32
      %get3A_151 = arith.index_cast %get3A_150 : i32 to index
      %get3A_152 = arith.index_cast %mul3A_98 : i32 to index
      %get3A_153 = tpu.vector_load %arg4[%get3A_151, %get3A_152] {strides = array<i32>} : memref<16x512xf32, #tpu.memory_space<vmem>>, vector<16xf32>,
      %get3A_154 = arith.constant 14 : i32
      %get3A_155 = arith.index_cast %get3A_154 : i32 to index
      %get3A_156 = arith.index_cast %mul3A_98 : i32 to index
      %get3A_157 = tpu.vector_load %arg4[%get3A_155, %get3A_156] {strides = array<i32>} : memref<16x512xf32, #tpu.memory_space<vmem>>, vector<16xf32>,
      %get3A_158 = arith.constant 15 : i32
      %get3A_159 = arith.index_cast %get3A_158 : i32 to index
      %get3A_160 = arith.index_cast %mul3A_98 : i32 to index
      %get3A_161 = tpu.vector_load %arg4[%get3A_159, %get3A_160] {strides = array<i32>} : memref<16x512xf32, #tpu.memory_space<vmem>>, vector<16xf32>,
      %min3A = arith.minimumf %get3A_101, %get3A_133 : vector<16xf32>
      %swap3A = arith.constant 0 : i32
      %swap3A_162 = arith.index_cast %swap3A : i32 to index
      %swap3A_163 = arith.index_cast %mul3A_98 : i32 to index
      %swap3A_164 = tpu.vector_load %arg5[%swap3A_162, %swap3A_163] {strides = array<i32>} : memref<64x512xf32, #tpu.memory_space<vmem>>, vector<16xf32>,
      tpu.vector_store %arg5[%swap3A_162, %swap3A_163], %min3A {strides = array<i32>} : memref<64x512xf32, #tpu.memory_space<vmem>>, vector<16xf32>,
      %min3A_165 = arith.minimumf %get3A_101, %get3A_137 : vector<16xf32>
      %swap3A_166 = arith.constant 1 : i32
      %swap3A_167 = arith.index_cast %swap3A_166 : i32 to index
      %swap3A_168 = arith.index_cast %mul3A_98 : i32 to index
      %swap3A_169 = tpu.vector_load %arg5[%swap3A_167, %swap3A_168] {strides = array<i32>} : memref<64x512xf32, #tpu.memory_space<vmem>>, vector<16xf32>,
      tpu.vector_store %arg5[%swap3A_167, %swap3A_168], %min3A_165 {strides = array<i32>} : memref<64x512xf32, #tpu.memory_space<vmem>>, vector<16xf32>,
      %min3A_170 = arith.minimumf %get3A_101, %get3A_141 : vector<16xf32>
      %swap3A_171 = arith.constant 2 : i32
      %swap3A_172 = arith.index_cast %swap3A_171 : i32 to index
      %swap3A_173 = arith.index_cast %mul3A_98 : i32 to index
      %swap3A_174 = tpu.vector_load %arg5[%swap3A_172, %swap3A_173] {strides = array<i32>} : memref<64x512xf32, #tpu.memory_space<vmem>>, vector<16xf32>,
      tpu.vector_store %arg5[%swap3A_172, %swap3A_173], %min3A_170 {strides = array<i32>} : memref<64x512xf32, #tpu.memory_space<vmem>>, vector<16xf32>,
      %min3A_175 = arith.minimumf %get3A_101, %get3A_145 : vector<16xf32>
      %swap3A_176 = arith.constant 3 : i32
      %swap3A_177 = arith.index_cast %swap3A_176 : i32 to index
      %swap3A_178 = arith.index_cast %mul3A_98 : i32 to index
      %swap3A_179 = tpu.vector_load %arg5[%swap3A_177, %swap3A_178] {strides = array<i32>} : memref<64x512xf32, #tpu.memory_space<vmem>>, vector<16xf32>,
      tpu.vector_store %arg5[%swap3A_177, %swap3A_178], %min3A_175 {strides = array<i32>} : memref<64x512xf32, #tpu.memory_space<vmem>>, vector<16xf32>,
      %min3A_180 = arith.minimumf %get3A_101, %get3A_149 : vector<16xf32>
      %swap3A_181 = arith.constant 4 : i32
      %swap3A_182 = arith.index_cast %swap3A_181 : i32 to index
      %swap3A_183 = arith.index_cast %mul3A_98 : i32 to index
      %swap3A_184 = tpu.vector_load %arg5[%swap3A_182, %swap3A_183] {strides = array<i32>} : memref<64x512xf32, #tpu.memory_space<vmem>>, vector<16xf32>,
      tpu.vector_store %arg5[%swap3A_182, %swap3A_183], %min3A_180 {strides = array<i32>} : memref<64x512xf32, #tpu.memory_space<vmem>>, vector<16xf32>,
      %min3A_185 = arith.minimumf %get3A_101, %get3A_153 : vector<16xf32>
      %swap3A_186 = arith.constant 5 : i32
      %swap3A_187 = arith.index_cast %swap3A_186 : i32 to index
      %swap3A_188 = arith.index_cast %mul3A_98 : i32 to index
      %swap3A_189 = tpu.vector_load %arg5[%swap3A_187, %swap3A_188] {strides = array<i32>} : memref<64x512xf32, #tpu.memory_space<vmem>>, vector<16xf32>,
      tpu.vector_store %arg5[%swap3A_187, %swap3A_188], %min3A_185 {strides = array<i32>} : memref<64x512xf32, #tpu.memory_space<vmem>>, vector<16xf32>,
      %min3A_190 = arith.minimumf %get3A_101, %get3A_157 : vector<16xf32>
      %swap3A_191 = arith.constant 6 : i32
      %swap3A_192 = arith.index_cast %swap3A_191 : i32 to index
      %swap3A_193 = arith.index_cast %mul3A_98 : i32 to index
      %swap3A_194 = tpu.vector_load %arg5[%swap3A_192, %swap3A_193] {strides = array<i32>} : memref<64x512xf32, #tpu.memory_space<vmem>>, vector<16xf32>,
      tpu.vector_store %arg5[%swap3A_192, %swap3A_193], %min3A_190 {strides = array<i32>} : memref<64x512xf32, #tpu.memory_space<vmem>>, vector<16xf32>,
      %min3A_195 = arith.minimumf %get3A_101, %get3A_161 : vector<16xf32>
      %swap3A_196 = arith.constant 7 : i32
      %swap3A_197 = arith.index_cast %swap3A_196 : i32 to index
      %swap3A_198 = arith.index_cast %mul3A_98 : i32 to index
      %swap3A_199 = tpu.vector_load %arg5[%swap3A_197, %swap3A_198] {strides = array<i32>} : memref<64x512xf32, #tpu.memory_space<vmem>>, vector<16xf32>,
      tpu.vector_store %arg5[%swap3A_197, %swap3A_198], %min3A_195 {strides = array<i32>} : memref<64x512xf32, #tpu.memory_space<vmem>>, vector<16xf32>,
      %min3A_200 = arith.minimumf %get3A_105, %get3A_133 : vector<16xf32>
      %swap3A_201 = arith.constant 8 : i32
      %swap3A_202 = arith.index_cast %swap3A_201 : i32 to index
      %swap3A_203 = arith.index_cast %mul3A_98 : i32 to index
      %swap3A_204 = tpu.vector_load %arg5[%swap3A_202, %swap3A_203] {strides = array<i32>} : memref<64x512xf32, #tpu.memory_space<vmem>>, vector<16xf32>,
      tpu.vector_store %arg5[%swap3A_202, %swap3A_203], %min3A_200 {strides = array<i32>} : memref<64x512xf32, #tpu.memory_space<vmem>>, vector<16xf32>,
      %min3A_205 = arith.minimumf %get3A_105, %get3A_137 : vector<16xf32>
      %swap3A_206 = arith.constant 9 : i32
      %swap3A_207 = arith.index_cast %swap3A_206 : i32 to index
      %swap3A_208 = arith.index_cast %mul3A_98 : i32 to index
      %swap3A_209 = tpu.vector_load %arg5[%swap3A_207, %swap3A_208] {strides = array<i32>} : memref<64x512xf32, #tpu.memory_space<vmem>>, vector<16xf32>,
      tpu.vector_store %arg5[%swap3A_207, %swap3A_208], %min3A_205 {strides = array<i32>} : memref<64x512xf32, #tpu.memory_space<vmem>>, vector<16xf32>,
      %min3A_210 = arith.minimumf %get3A_105, %get3A_141 : vector<16xf32>
      %swap3A_211 = arith.constant 10 : i32
      %swap3A_212 = arith.index_cast %swap3A_211 : i32 to index
      %swap3A_213 = arith.index_cast %mul3A_98 : i32 to index
      %swap3A_214 = tpu.vector_load %arg5[%swap3A_212, %swap3A_213] {strides = array<i32>} : memref<64x512xf32, #tpu.memory_space<vmem>>, vector<16xf32>,
      tpu.vector_store %arg5[%swap3A_212, %swap3A_213], %min3A_210 {strides = array<i32>} : memref<64x512xf32, #tpu.memory_space<vmem>>, vector<16xf32>,
      %min3A_215 = arith.minimumf %get3A_105, %get3A_145 : vector<16xf32>
      %swap3A_216 = arith.constant 11 : i32
      %swap3A_217 = arith.index_cast %swap3A_216 : i32 to index
      %swap3A_218 = arith.index_cast %mul3A_98 : i32 to index
      %swap3A_219 = tpu.vector_load %arg5[%swap3A_217, %swap3A_218] {strides = array<i32>} : memref<64x512xf32, #tpu.memory_space<vmem>>, vector<16xf32>,
      tpu.vector_store %arg5[%swap3A_217, %swap3A_218], %min3A_215 {strides = array<i32>} : memref<64x512xf32, #tpu.memory_space<vmem>>, vector<16xf32>,
      %min3A_220 = arith.minimumf %get3A_105, %get3A_149 : vector<16xf32>
      %swap3A_221 = arith.constant 12 : i32
      %swap3A_222 = arith.index_cast %swap3A_221 : i32 to index
      %swap3A_223 = arith.index_cast %mul3A_98 : i32 to index
      %swap3A_224 = tpu.vector_load %arg5[%swap3A_222, %swap3A_223] {strides = array<i32>} : memref<64x512xf32, #tpu.memory_space<vmem>>, vector<16xf32>,
      tpu.vector_store %arg5[%swap3A_222, %swap3A_223], %min3A_220 {strides = array<i32>} : memref<64x512xf32, #tpu.memory_space<vmem>>, vector<16xf32>,
      %min3A_225 = arith.minimumf %get3A_105, %get3A_153 : vector<16xf32>
      %swap3A_226 = arith.constant 13 : i32
      %swap3A_227 = arith.index_cast %swap3A_226 : i32 to index
      %swap3A_228 = arith.index_cast %mul3A_98 : i32 to index
      %swap3A_229 = tpu.vector_load %arg5[%swap3A_227, %swap3A_228] {strides = array<i32>} : memref<64x512xf32, #tpu.memory_space<vmem>>, vector<16xf32>,
      tpu.vector_store %arg5[%swap3A_227, %swap3A_228], %min3A_225 {strides = array<i32>} : memref<64x512xf32, #tpu.memory_space<vmem>>, vector<16xf32>,
      %min3A_230 = arith.minimumf %get3A_105, %get3A_157 : vector<16xf32>
      %swap3A_231 = arith.constant 14 : i32
      %swap3A_232 = arith.index_cast %swap3A_231 : i32 to index
      %swap3A_233 = arith.index_cast %mul3A_98 : i32 to index
      %swap3A_234 = tpu.vector_load %arg5[%swap3A_232, %swap3A_233] {strides = array<i32>} : memref<64x512xf32, #tpu.memory_space<vmem>>, vector<16xf32>,
      tpu.vector_store %arg5[%swap3A_232, %swap3A_233], %min3A_230 {strides = array<i32>} : memref<64x512xf32, #tpu.memory_space<vmem>>, vector<16xf32>,
      %min3A_235 = arith.minimumf %get3A_105, %get3A_161 : vector<16xf32>
      %swap3A_236 = arith.constant 15 : i32
      %swap3A_237 = arith.index_cast %swap3A_236 : i32 to index
      %swap3A_238 = arith.index_cast %mul3A_98 : i32 to index
      %swap3A_239 = tpu.vector_load %arg5[%swap3A_237, %swap3A_238] {strides = array<i32>} : memref<64x512xf32, #tpu.memory_space<vmem>>, vector<16xf32>,
      tpu.vector_store %arg5[%swap3A_237, %swap3A_238], %min3A_235 {strides = array<i32>} : memref<64x512xf32, #tpu.memory_space<vmem>>, vector<16xf32>,
      %min3A_240 = arith.minimumf %get3A_109, %get3A_133 : vector<16xf32>
      %swap3A_241 = arith.constant 16 : i32
      %swap3A_242 = arith.index_cast %swap3A_241 : i32 to index
      %swap3A_243 = arith.index_cast %mul3A_98 : i32 to index
      %swap3A_244 = tpu.vector_load %arg5[%swap3A_242, %swap3A_243] {strides = array<i32>} : memref<64x512xf32, #tpu.memory_space<vmem>>, vector<16xf32>,
      tpu.vector_store %arg5[%swap3A_242, %swap3A_243], %min3A_240 {strides = array<i32>} : memref<64x512xf32, #tpu.memory_space<vmem>>, vector<16xf32>,
      %min3A_245 = arith.minimumf %get3A_109, %get3A_137 : vector<16xf32>
      %swap3A_246 = arith.constant 17 : i32
      %swap3A_247 = arith.index_cast %swap3A_246 : i32 to index
      %swap3A_248 = arith.index_cast %mul3A_98 : i32 to index
      %swap3A_249 = tpu.vector_load %arg5[%swap3A_247, %swap3A_248] {strides = array<i32>} : memref<64x512xf32, #tpu.memory_space<vmem>>, vector<16xf32>,
      tpu.vector_store %arg5[%swap3A_247, %swap3A_248], %min3A_245 {strides = array<i32>} : memref<64x512xf32, #tpu.memory_space<vmem>>, vector<16xf32>,
      %min3A_250 = arith.minimumf %get3A_109, %get3A_141 : vector<16xf32>
      %swap3A_251 = arith.constant 18 : i32
      %swap3A_252 = arith.index_cast %swap3A_251 : i32 to index
      %swap3A_253 = arith.index_cast %mul3A_98 : i32 to index
      %swap3A_254 = tpu.vector_load %arg5[%swap3A_252, %swap3A_253] {strides = array<i32>} : memref<64x512xf32, #tpu.memory_space<vmem>>, vector<16xf32>,
      tpu.vector_store %arg5[%swap3A_252, %swap3A_253], %min3A_250 {strides = array<i32>} : memref<64x512xf32, #tpu.memory_space<vmem>>, vector<16xf32>,
      %min3A_255 = arith.minimumf %get3A_109, %get3A_145 : vector<16xf32>
      %swap3A_256 = arith.constant 19 : i32
      %swap3A_257 = arith.index_cast %swap3A_256 : i32 to index
      %swap3A_258 = arith.index_cast %mul3A_98 : i32 to index
      %swap3A_259 = tpu.vector_load %arg5[%swap3A_257, %swap3A_258] {strides = array<i32>} : memref<64x512xf32, #tpu.memory_space<vmem>>, vector<16xf32>,
      tpu.vector_store %arg5[%swap3A_257, %swap3A_258], %min3A_255 {strides = array<i32>} : memref<64x512xf32, #tpu.memory_space<vmem>>, vector<16xf32>,
      %min3A_260 = arith.minimumf %get3A_109, %get3A_149 : vector<16xf32>
      %swap3A_261 = arith.constant 20 : i32
      %swap3A_262 = arith.index_cast %swap3A_261 : i32 to index
      %swap3A_263 = arith.index_cast %mul3A_98 : i32 to index
      %swap3A_264 = tpu.vector_load %arg5[%swap3A_262, %swap3A_263] {strides = array<i32>} : memref<64x512xf32, #tpu.memory_space<vmem>>, vector<16xf32>,
      tpu.vector_store %arg5[%swap3A_262, %swap3A_263], %min3A_260 {strides = array<i32>} : memref<64x512xf32, #tpu.memory_space<vmem>>, vector<16xf32>,
      %min3A_265 = arith.minimumf %get3A_109, %get3A_153 : vector<16xf32>
      %swap3A_266 = arith.constant 21 : i32
      %swap3A_267 = arith.index_cast %swap3A_266 : i32 to index
      %swap3A_268 = arith.index_cast %mul3A_98 : i32 to index
      %swap3A_269 = tpu.vector_load %arg5[%swap3A_267, %swap3A_268] {strides = array<i32>} : memref<64x512xf32, #tpu.memory_space<vmem>>, vector<16xf32>,
      tpu.vector_store %arg5[%swap3A_267, %swap3A_268], %min3A_265 {strides = array<i32>} : memref<64x512xf32, #tpu.memory_space<vmem>>, vector<16xf32>,
      %min3A_270 = arith.minimumf %get3A_109, %get3A_157 : vector<16xf32>
      %swap3A_271 = arith.constant 22 : i32
      %swap3A_272 = arith.index_cast %swap3A_271 : i32 to index
      %swap3A_273 = arith.index_cast %mul3A_98 : i32 to index
      %swap3A_274 = tpu.vector_load %arg5[%swap3A_272, %swap3A_273] {strides = array<i32>} : memref<64x512xf32, #tpu.memory_space<vmem>>, vector<16xf32>,
      tpu.vector_store %arg5[%swap3A_272, %swap3A_273], %min3A_270 {strides = array<i32>} : memref<64x512xf32, #tpu.memory_space<vmem>>, vector<16xf32>,
      %min3A_275 = arith.minimumf %get3A_109, %get3A_161 : vector<16xf32>
      %swap3A_276 = arith.constant 23 : i32
      %swap3A_277 = arith.index_cast %swap3A_276 : i32 to index
      %swap3A_278 = arith.index_cast %mul3A_98 : i32 to index
      %swap3A_279 = tpu.vector_load %arg5[%swap3A_277, %swap3A_278] {strides = array<i32>} : memref<64x512xf32, #tpu.memory_space<vmem>>, vector<16xf32>,
      tpu.vector_store %arg5[%swap3A_277, %swap3A_278], %min3A_275 {strides = array<i32>} : memref<64x512xf32, #tpu.memory_space<vmem>>, vector<16xf32>,
      %min3A_280 = arith.minimumf %get3A_113, %get3A_133 : vector<16xf32>
      %swap3A_281 = arith.constant 24 : i32
      %swap3A_282 = arith.index_cast %swap3A_281 : i32 to index
      %swap3A_283 = arith.index_cast %mul3A_98 : i32 to index
      %swap3A_284 = tpu.vector_load %arg5[%swap3A_282, %swap3A_283] {strides = array<i32>} : memref<64x512xf32, #tpu.memory_space<vmem>>, vector<16xf32>,
      tpu.vector_store %arg5[%swap3A_282, %swap3A_283], %min3A_280 {strides = array<i32>} : memref<64x512xf32, #tpu.memory_space<vmem>>, vector<16xf32>,
      %min3A_285 = arith.minimumf %get3A_113, %get3A_137 : vector<16xf32>
      %swap3A_286 = arith.constant 25 : i32
      %swap3A_287 = arith.index_cast %swap3A_286 : i32 to index
      %swap3A_288 = arith.index_cast %mul3A_98 : i32 to index
      %swap3A_289 = tpu.vector_load %arg5[%swap3A_287, %swap3A_288] {strides = array<i32>} : memref<64x512xf32, #tpu.memory_space<vmem>>, vector<16xf32>,
      tpu.vector_store %arg5[%swap3A_287, %swap3A_288], %min3A_285 {strides = array<i32>} : memref<64x512xf32, #tpu.memory_space<vmem>>, vector<16xf32>,
      %min3A_290 = arith.minimumf %get3A_113, %get3A_141 : vector<16xf32>
      %swap3A_291 = arith.constant 26 : i32
      %swap3A_292 = arith.index_cast %swap3A_291 : i32 to index
      %swap3A_293 = arith.index_cast %mul3A_98 : i32 to index
      %swap3A_294 = tpu.vector_load %arg5[%swap3A_292, %swap3A_293] {strides = array<i32>} : memref<64x512xf32, #tpu.memory_space<vmem>>, vector<16xf32>,
      tpu.vector_store %arg5[%swap3A_292, %swap3A_293], %min3A_290 {strides = array<i32>} : memref<64x512xf32, #tpu.memory_space<vmem>>, vector<16xf32>,
      %min3A_295 = arith.minimumf %get3A_113, %get3A_145 : vector<16xf32>
      %swap3A_296 = arith.constant 27 : i32
      %swap3A_297 = arith.index_cast %swap3A_296 : i32 to index
      %swap3A_298 = arith.index_cast %mul3A_98 : i32 to index
      %swap3A_299 = tpu.vector_load %arg5[%swap3A_297, %swap3A_298] {strides = array<i32>} : memref<64x512xf32, #tpu.memory_space<vmem>>, vector<16xf32>,
      tpu.vector_store %arg5[%swap3A_297, %swap3A_298], %min3A_295 {strides = array<i32>} : memref<64x512xf32, #tpu.memory_space<vmem>>, vector<16xf32>,
      %min3A_300 = arith.minimumf %get3A_113, %get3A_149 : vector<16xf32>
      %swap3A_301 = arith.constant 28 : i32
      %swap3A_302 = arith.index_cast %swap3A_301 : i32 to index
      %swap3A_303 = arith.index_cast %mul3A_98 : i32 to index
      %swap3A_304 = tpu.vector_load %arg5[%swap3A_302, %swap3A_303] {strides = array<i32>} : memref<64x512xf32, #tpu.memory_space<vmem>>, vector<16xf32>,
      tpu.vector_store %arg5[%swap3A_302, %swap3A_303], %min3A_300 {strides = array<i32>} : memref<64x512xf32, #tpu.memory_space<vmem>>, vector<16xf32>,
      %min3A_305 = arith.minimumf %get3A_113, %get3A_153 : vector<16xf32>
      %swap3A_306 = arith.constant 29 : i32
      %swap3A_307 = arith.index_cast %swap3A_306 : i32 to index
      %swap3A_308 = arith.index_cast %mul3A_98 : i32 to index
      %swap3A_309 = tpu.vector_load %arg5[%swap3A_307, %swap3A_308] {strides = array<i32>} : memref<64x512xf32, #tpu.memory_space<vmem>>, vector<16xf32>,
      tpu.vector_store %arg5[%swap3A_307, %swap3A_308], %min3A_305 {strides = array<i32>} : memref<64x512xf32, #tpu.memory_space<vmem>>, vector<16xf32>,
      %min3A_310 = arith.minimumf %get3A_113, %get3A_157 : vector<16xf32>
      %swap3A_311 = arith.constant 30 : i32
      %swap3A_312 = arith.index_cast %swap3A_311 : i32 to index
      %swap3A_313 = arith.index_cast %mul3A_98 : i32 to index
      %swap3A_314 = tpu.vector_load %arg5[%swap3A_312, %swap3A_313] {strides = array<i32>} : memref<64x512xf32, #tpu.memory_space<vmem>>, vector<16xf32>,
      tpu.vector_store %arg5[%swap3A_312, %swap3A_313], %min3A_310 {strides = array<i32>} : memref<64x512xf32, #tpu.memory_space<vmem>>, vector<16xf32>,
      %min3A_315 = arith.minimumf %get3A_113, %get3A_161 : vector<16xf32>
      %swap3A_316 = arith.constant 31 : i32
      %swap3A_317 = arith.index_cast %swap3A_316 : i32 to index
      %swap3A_318 = arith.index_cast %mul3A_98 : i32 to index
      %swap3A_319 = tpu.vector_load %arg5[%swap3A_317, %swap3A_318] {strides = array<i32>} : memref<64x512xf32, #tpu.memory_space<vmem>>, vector<16xf32>,
      tpu.vector_store %arg5[%swap3A_317, %swap3A_318], %min3A_315 {strides = array<i32>} : memref<64x512xf32, #tpu.memory_space<vmem>>, vector<16xf32>,
      %min3A_320 = arith.minimumf %get3A_117, %get3A_133 : vector<16xf32>
      %swap3A_321 = arith.constant 32 : i32
      %swap3A_322 = arith.index_cast %swap3A_321 : i32 to index
      %swap3A_323 = arith.index_cast %mul3A_98 : i32 to index
      %swap3A_324 = tpu.vector_load %arg5[%swap3A_322, %swap3A_323] {strides = array<i32>} : memref<64x512xf32, #tpu.memory_space<vmem>>, vector<16xf32>,
      tpu.vector_store %arg5[%swap3A_322, %swap3A_323], %min3A_320 {strides = array<i32>} : memref<64x512xf32, #tpu.memory_space<vmem>>, vector<16xf32>,
      %min3A_325 = arith.minimumf %get3A_117, %get3A_137 : vector<16xf32>
      %swap3A_326 = arith.constant 33 : i32
      %swap3A_327 = arith.index_cast %swap3A_326 : i32 to index
      %swap3A_328 = arith.index_cast %mul3A_98 : i32 to index
      %swap3A_329 = tpu.vector_load %arg5[%swap3A_327, %swap3A_328] {strides = array<i32>} : memref<64x512xf32, #tpu.memory_space<vmem>>, vector<16xf32>,
      tpu.vector_store %arg5[%swap3A_327, %swap3A_328], %min3A_325 {strides = array<i32>} : memref<64x512xf32, #tpu.memory_space<vmem>>, vector<16xf32>,
      %min3A_330 = arith.minimumf %get3A_117, %get3A_141 : vector<16xf32>
      %swap3A_331 = arith.constant 34 : i32
      %swap3A_332 = arith.index_cast %swap3A_331 : i32 to index
      %swap3A_333 = arith.index_cast %mul3A_98 : i32 to index
      %swap3A_334 = tpu.vector_load %arg5[%swap3A_332, %swap3A_333] {strides = array<i32>} : memref<64x512xf32, #tpu.memory_space<vmem>>, vector<16xf32>,
      tpu.vector_store %arg5[%swap3A_332, %swap3A_333], %min3A_330 {strides = array<i32>} : memref<64x512xf32, #tpu.memory_space<vmem>>, vector<16xf32>,
      %min3A_335 = arith.minimumf %get3A_117, %get3A_145 : vector<16xf32>
      %swap3A_336 = arith.constant 35 : i32
      %swap3A_337 = arith.index_cast %swap3A_336 : i32 to index
      %swap3A_338 = arith.index_cast %mul3A_98 : i32 to index
      %swap3A_339 = tpu.vector_load %arg5[%swap3A_337, %swap3A_338] {strides = array<i32>} : memref<64x512xf32, #tpu.memory_space<vmem>>, vector<16xf32>,
      tpu.vector_store %arg5[%swap3A_337, %swap3A_338], %min3A_335 {strides = array<i32>} : memref<64x512xf32, #tpu.memory_space<vmem>>, vector<16xf32>,
      %min3A_340 = arith.minimumf %get3A_117, %get3A_149 : vector<16xf32>
      %swap3A_341 = arith.constant 36 : i32
      %swap3A_342 = arith.index_cast %swap3A_341 : i32 to index
      %swap3A_343 = arith.index_cast %mul3A_98 : i32 to index
      %swap3A_344 = tpu.vector_load %arg5[%swap3A_342, %swap3A_343] {strides = array<i32>} : memref<64x512xf32, #tpu.memory_space<vmem>>, vector<16xf32>,
      tpu.vector_store %arg5[%swap3A_342, %swap3A_343], %min3A_340 {strides = array<i32>} : memref<64x512xf32, #tpu.memory_space<vmem>>, vector<16xf32>,
      %min3A_345 = arith.minimumf %get3A_117, %get3A_153 : vector<16xf32>
      %swap3A_346 = arith.constant 37 : i32
      %swap3A_347 = arith.index_cast %swap3A_346 : i32 to index
      %swap3A_348 = arith.index_cast %mul3A_98 : i32 to index
      %swap3A_349 = tpu.vector_load %arg5[%swap3A_347, %swap3A_348] {strides = array<i32>} : memref<64x512xf32, #tpu.memory_space<vmem>>, vector<16xf32>,
      tpu.vector_store %arg5[%swap3A_347, %swap3A_348], %min3A_345 {strides = array<i32>} : memref<64x512xf32, #tpu.memory_space<vmem>>, vector<16xf32>,
      %min3A_350 = arith.minimumf %get3A_117, %get3A_157 : vector<16xf32>
      %swap3A_351 = arith.constant 38 : i32
      %swap3A_352 = arith.index_cast %swap3A_351 : i32 to index
      %swap3A_353 = arith.index_cast %mul3A_98 : i32 to index
      %swap3A_354 = tpu.vector_load %arg5[%swap3A_352, %swap3A_353] {strides = array<i32>} : memref<64x512xf32, #tpu.memory_space<vmem>>, vector<16xf32>,
      tpu.vector_store %arg5[%swap3A_352, %swap3A_353], %min3A_350 {strides = array<i32>} : memref<64x512xf32, #tpu.memory_space<vmem>>, vector<16xf32>,
      %min3A_355 = arith.minimumf %get3A_117, %get3A_161 : vector<16xf32>
      %swap3A_356 = arith.constant 39 : i32
      %swap3A_357 = arith.index_cast %swap3A_356 : i32 to index
      %swap3A_358 = arith.index_cast %mul3A_98 : i32 to index
      %swap3A_359 = tpu.vector_load %arg5[%swap3A_357, %swap3A_358] {strides = array<i32>} : memref<64x512xf32, #tpu.memory_space<vmem>>, vector<16xf32>,
      tpu.vector_store %arg5[%swap3A_357, %swap3A_358], %min3A_355 {strides = array<i32>} : memref<64x512xf32, #tpu.memory_space<vmem>>, vector<16xf32>,
      %min3A_360 = arith.minimumf %get3A_121, %get3A_133 : vector<16xf32>
      %swap3A_361 = arith.constant 40 : i32
      %swap3A_362 = arith.index_cast %swap3A_361 : i32 to index
      %swap3A_363 = arith.index_cast %mul3A_98 : i32 to index
      %swap3A_364 = tpu.vector_load %arg5[%swap3A_362, %swap3A_363] {strides = array<i32>} : memref<64x512xf32, #tpu.memory_space<vmem>>, vector<16xf32>,
      tpu.vector_store %arg5[%swap3A_362, %swap3A_363], %min3A_360 {strides = array<i32>} : memref<64x512xf32, #tpu.memory_space<vmem>>, vector<16xf32>,
      %min3A_365 = arith.minimumf %get3A_121, %get3A_137 : vector<16xf32>
      %swap3A_366 = arith.constant 41 : i32
      %swap3A_367 = arith.index_cast %swap3A_366 : i32 to index
      %swap3A_368 = arith.index_cast %mul3A_98 : i32 to index
      %swap3A_369 = tpu.vector_load %arg5[%swap3A_367, %swap3A_368] {strides = array<i32>} : memref<64x512xf32, #tpu.memory_space<vmem>>, vector<16xf32>,
      tpu.vector_store %arg5[%swap3A_367, %swap3A_368], %min3A_365 {strides = array<i32>} : memref<64x512xf32, #tpu.memory_space<vmem>>, vector<16xf32>,
      %min3A_370 = arith.minimumf %get3A_121, %get3A_141 : vector<16xf32>
      %swap3A_371 = arith.constant 42 : i32
      %swap3A_372 = arith.index_cast %swap3A_371 : i32 to index
      %swap3A_373 = arith.index_cast %mul3A_98 : i32 to index
      %swap3A_374 = tpu.vector_load %arg5[%swap3A_372, %swap3A_373] {strides = array<i32>} : memref<64x512xf32, #tpu.memory_space<vmem>>, vector<16xf32>,
      tpu.vector_store %arg5[%swap3A_372, %swap3A_373], %min3A_370 {strides = array<i32>} : memref<64x512xf32, #tpu.memory_space<vmem>>, vector<16xf32>,
      %min3A_375 = arith.minimumf %get3A_121, %get3A_145 : vector<16xf32>
      %swap3A_376 = arith.constant 43 : i32
      %swap3A_377 = arith.index_cast %swap3A_376 : i32 to index
      %swap3A_378 = arith.index_cast %mul3A_98 : i32 to index
      %swap3A_379 = tpu.vector_load %arg5[%swap3A_377, %swap3A_378] {strides = array<i32>} : memref<64x512xf32, #tpu.memory_space<vmem>>, vector<16xf32>,
      tpu.vector_store %arg5[%swap3A_377, %swap3A_378], %min3A_375 {strides = array<i32>} : memref<64x512xf32, #tpu.memory_space<vmem>>, vector<16xf32>,
      %min3A_380 = arith.minimumf %get3A_121, %get3A_149 : vector<16xf32>
      %swap3A_381 = arith.constant 44 : i32
      %swap3A_382 = arith.index_cast %swap3A_381 : i32 to index
      %swap3A_383 = arith.index_cast %mul3A_98 : i32 to index
      %swap3A_384 = tpu.vector_load %arg5[%swap3A_382, %swap3A_383] {strides = array<i32>} : memref<64x512xf32, #tpu.memory_space<vmem>>, vector<16xf32>,
      tpu.vector_store %arg5[%swap3A_382, %swap3A_383], %min3A_380 {strides = array<i32>} : memref<64x512xf32, #tpu.memory_space<vmem>>, vector<16xf32>,
      %min3A_385 = arith.minimumf %get3A_121, %get3A_153 : vector<16xf32>
      %swap3A_386 = arith.constant 45 : i32
      %swap3A_387 = arith.index_cast %swap3A_386 : i32 to index
      %swap3A_388 = arith.index_cast %mul3A_98 : i32 to index
      %swap3A_389 = tpu.vector_load %arg5[%swap3A_387, %swap3A_388] {strides = array<i32>} : memref<64x512xf32, #tpu.memory_space<vmem>>, vector<16xf32>,
      tpu.vector_store %arg5[%swap3A_387, %swap3A_388], %min3A_385 {strides = array<i32>} : memref<64x512xf32, #tpu.memory_space<vmem>>, vector<16xf32>,
      %min3A_390 = arith.minimumf %get3A_121, %get3A_157 : vector<16xf32>
      %swap3A_391 = arith.constant 46 : i32
      %swap3A_392 = arith.index_cast %swap3A_391 : i32 to index
      %swap3A_393 = arith.index_cast %mul3A_98 : i32 to index
      %swap3A_394 = tpu.vector_load %arg5[%swap3A_392, %swap3A_393] {strides = array<i32>} : memref<64x512xf32, #tpu.memory_space<vmem>>, vector<16xf32>,
      tpu.vector_store %arg5[%swap3A_392, %swap3A_393], %min3A_390 {strides = array<i32>} : memref<64x512xf32, #tpu.memory_space<vmem>>, vector<16xf32>,
      %min3A_395 = arith.minimumf %get3A_121, %get3A_161 : vector<16xf32>
      %swap3A_396 = arith.constant 47 : i32
      %swap3A_397 = arith.index_cast %swap3A_396 : i32 to index
      %swap3A_398 = arith.index_cast %mul3A_98 : i32 to index
      %swap3A_399 = tpu.vector_load %arg5[%swap3A_397, %swap3A_398] {strides = array<i32>} : memref<64x512xf32, #tpu.memory_space<vmem>>, vector<16xf32>,
      tpu.vector_store %arg5[%swap3A_397, %swap3A_398], %min3A_395 {strides = array<i32>} : memref<64x512xf32, #tpu.memory_space<vmem>>, vector<16xf32>,
      %min3A_400 = arith.minimumf %get3A_125, %get3A_133 : vector<16xf32>
      %swap3A_401 = arith.constant 48 : i32
      %swap3A_402 = arith.index_cast %swap3A_401 : i32 to index
      %swap3A_403 = arith.index_cast %mul3A_98 : i32 to index
      %swap3A_404 = tpu.vector_load %arg5[%swap3A_402, %swap3A_403] {strides = array<i32>} : memref<64x512xf32, #tpu.memory_space<vmem>>, vector<16xf32>,
      tpu.vector_store %arg5[%swap3A_402, %swap3A_403], %min3A_400 {strides = array<i32>} : memref<64x512xf32, #tpu.memory_space<vmem>>, vector<16xf32>,
      %min3A_405 = arith.minimumf %get3A_125, %get3A_137 : vector<16xf32>
      %swap3A_406 = arith.constant 49 : i32
      %swap3A_407 = arith.index_cast %swap3A_406 : i32 to index
      %swap3A_408 = arith.index_cast %mul3A_98 : i32 to index
      %swap3A_409 = tpu.vector_load %arg5[%swap3A_407, %swap3A_408] {strides = array<i32>} : memref<64x512xf32, #tpu.memory_space<vmem>>, vector<16xf32>,
      tpu.vector_store %arg5[%swap3A_407, %swap3A_408], %min3A_405 {strides = array<i32>} : memref<64x512xf32, #tpu.memory_space<vmem>>, vector<16xf32>,
      %min3A_410 = arith.minimumf %get3A_125, %get3A_141 : vector<16xf32>
      %swap3A_411 = arith.constant 50 : i32
      %swap3A_412 = arith.index_cast %swap3A_411 : i32 to index
      %swap3A_413 = arith.index_cast %mul3A_98 : i32 to index
      %swap3A_414 = tpu.vector_load %arg5[%swap3A_412, %swap3A_413] {strides = array<i32>} : memref<64x512xf32, #tpu.memory_space<vmem>>, vector<16xf32>,
      tpu.vector_store %arg5[%swap3A_412, %swap3A_413], %min3A_410 {strides = array<i32>} : memref<64x512xf32, #tpu.memory_space<vmem>>, vector<16xf32>,
      %min3A_415 = arith.minimumf %get3A_125, %get3A_145 : vector<16xf32>
      %swap3A_416 = arith.constant 51 : i32
      %swap3A_417 = arith.index_cast %swap3A_416 : i32 to index
      %swap3A_418 = arith.index_cast %mul3A_98 : i32 to index
      %swap3A_419 = tpu.vector_load %arg5[%swap3A_417, %swap3A_418] {strides = array<i32>} : memref<64x512xf32, #tpu.memory_space<vmem>>, vector<16xf32>,
      tpu.vector_store %arg5[%swap3A_417, %swap3A_418], %min3A_415 {strides = array<i32>} : memref<64x512xf32, #tpu.memory_space<vmem>>, vector<16xf32>,
      %min3A_420 = arith.minimumf %get3A_125, %get3A_149 : vector<16xf32>
      %swap3A_421 = arith.constant 52 : i32
      %swap3A_422 = arith.index_cast %swap3A_421 : i32 to index
      %swap3A_423 = arith.index_cast %mul3A_98 : i32 to index
      %swap3A_424 = tpu.vector_load %arg5[%swap3A_422, %swap3A_423] {strides = array<i32>} : memref<64x512xf32, #tpu.memory_space<vmem>>, vector<16xf32>,
      tpu.vector_store %arg5[%swap3A_422, %swap3A_423], %min3A_420 {strides = array<i32>} : memref<64x512xf32, #tpu.memory_space<vmem>>, vector<16xf32>,
      %min3A_425 = arith.minimumf %get3A_125, %get3A_153 : vector<16xf32>
      %swap3A_426 = arith.constant 53 : i32
      %swap3A_427 = arith.index_cast %swap3A_426 : i32 to index
      %swap3A_428 = arith.index_cast %mul3A_98 : i32 to index
      %swap3A_429 = tpu.vector_load %arg5[%swap3A_427, %swap3A_428] {strides = array<i32>} : memref<64x512xf32, #tpu.memory_space<vmem>>, vector<16xf32>,
      tpu.vector_store %arg5[%swap3A_427, %swap3A_428], %min3A_425 {strides = array<i32>} : memref<64x512xf32, #tpu.memory_space<vmem>>, vector<16xf32>,
      %min3A_430 = arith.minimumf %get3A_125, %get3A_157 : vector<16xf32>
      %swap3A_431 = arith.constant 54 : i32
      %swap3A_432 = arith.index_cast %swap3A_431 : i32 to index
      %swap3A_433 = arith.index_cast %mul3A_98 : i32 to index
      %swap3A_434 = tpu.vector_load %arg5[%swap3A_432, %swap3A_433] {strides = array<i32>} : memref<64x512xf32, #tpu.memory_space<vmem>>, vector<16xf32>,
      tpu.vector_store %arg5[%swap3A_432, %swap3A_433], %min3A_430 {strides = array<i32>} : memref<64x512xf32, #tpu.memory_space<vmem>>, vector<16xf32>,
      %min3A_435 = arith.minimumf %get3A_125, %get3A_161 : vector<16xf32>
      %swap3A_436 = arith.constant 55 : i32
      %swap3A_437 = arith.index_cast %swap3A_436 : i32 to index
      %swap3A_438 = arith.index_cast %mul3A_98 : i32 to index
      %swap3A_439 = tpu.vector_load %arg5[%swap3A_437, %swap3A_438] {strides = array<i32>} : memref<64x512xf32, #tpu.memory_space<vmem>>, vector<16xf32>,
      tpu.vector_store %arg5[%swap3A_437, %swap3A_438], %min3A_435 {strides = array<i32>} : memref<64x512xf32, #tpu.memory_space<vmem>>, vector<16xf32>,
      %min3A_440 = arith.minimumf %get3A_129, %get3A_133 : vector<16xf32>
      %swap3A_441 = arith.constant 56 : i32
      %swap3A_442 = arith.index_cast %swap3A_441 : i32 to index
      %swap3A_443 = arith.index_cast %mul3A_98 : i32 to index
      %swap3A_444 = tpu.vector_load %arg5[%swap3A_442, %swap3A_443] {strides = array<i32>} : memref<64x512xf32, #tpu.memory_space<vmem>>, vector<16xf32>,
      tpu.vector_store %arg5[%swap3A_442, %swap3A_443], %min3A_440 {strides = array<i32>} : memref<64x512xf32, #tpu.memory_space<vmem>>, vector<16xf32>,
      %min3A_445 = arith.minimumf %get3A_129, %get3A_137 : vector<16xf32>
      %swap3A_446 = arith.constant 57 : i32
      %swap3A_447 = arith.index_cast %swap3A_446 : i32 to index
      %swap3A_448 = arith.index_cast %mul3A_98 : i32 to index
      %swap3A_449 = tpu.vector_load %arg5[%swap3A_447, %swap3A_448] {strides = array<i32>} : memref<64x512xf32, #tpu.memory_space<vmem>>, vector<16xf32>,
      tpu.vector_store %arg5[%swap3A_447, %swap3A_448], %min3A_445 {strides = array<i32>} : memref<64x512xf32, #tpu.memory_space<vmem>>, vector<16xf32>,
      %min3A_450 = arith.minimumf %get3A_129, %get3A_141 : vector<16xf32>
      %swap3A_451 = arith.constant 58 : i32
      %swap3A_452 = arith.index_cast %swap3A_451 : i32 to index
      %swap3A_453 = arith.index_cast %mul3A_98 : i32 to index
      %swap3A_454 = tpu.vector_load %arg5[%swap3A_452, %swap3A_453] {strides = array<i32>} : memref<64x512xf32, #tpu.memory_space<vmem>>, vector<16xf32>,
      tpu.vector_store %arg5[%swap3A_452, %swap3A_453], %min3A_450 {strides = array<i32>} : memref<64x512xf32, #tpu.memory_space<vmem>>, vector<16xf32>,
      %min3A_455 = arith.minimumf %get3A_129, %get3A_145 : vector<16xf32>
      %swap3A_456 = arith.constant 59 : i32
      %swap3A_457 = arith.index_cast %swap3A_456 : i32 to index
      %swap3A_458 = arith.index_cast %mul3A_98 : i32 to index
      %swap3A_459 = tpu.vector_load %arg5[%swap3A_457, %swap3A_458] {strides = array<i32>} : memref<64x512xf32, #tpu.memory_space<vmem>>, vector<16xf32>,
      tpu.vector_store %arg5[%swap3A_457, %swap3A_458], %min3A_455 {strides = array<i32>} : memref<64x512xf32, #tpu.memory_space<vmem>>, vector<16xf32>,
      %min3A_460 = arith.minimumf %get3A_129, %get3A_149 : vector<16xf32>
      %swap3A_461 = arith.constant 60 : i32
      %swap3A_462 = arith.index_cast %swap3A_461 : i32 to index
      %swap3A_463 = arith.index_cast %mul3A_98 : i32 to index
      %swap3A_464 = tpu.vector_load %arg5[%swap3A_462, %swap3A_463] {strides = array<i32>} : memref<64x512xf32, #tpu.memory_space<vmem>>, vector<16xf32>,
      tpu.vector_store %arg5[%swap3A_462, %swap3A_463], %min3A_460 {strides = array<i32>} : memref<64x512xf32, #tpu.memory_space<vmem>>, vector<16xf32>,
      %min3A_465 = arith.minimumf %get3A_129, %get3A_153 : vector<16xf32>
      %swap3A_466 = arith.constant 61 : i32
      %swap3A_467 = arith.index_cast %swap3A_466 : i32 to index
      %swap3A_468 = arith.index_cast %mul3A_98 : i32 to index
      %swap3A_469 = tpu.vector_load %arg5[%swap3A_467, %swap3A_468] {strides = array<i32>} : memref<64x512xf32, #tpu.memory_space<vmem>>, vector<16xf32>,
      tpu.vector_store %arg5[%swap3A_467, %swap3A_468], %min3A_465 {strides = array<i32>} : memref<64x512xf32, #tpu.memory_space<vmem>>, vector<16xf32>,
      %min3A_470 = arith.minimumf %get3A_129, %get3A_157 : vector<16xf32>
      %swap3A_471 = arith.constant 62 : i32
      %swap3A_472 = arith.index_cast %swap3A_471 : i32 to index
      %swap3A_473 = arith.index_cast %mul3A_98 : i32 to index
      %swap3A_474 = tpu.vector_load %arg5[%swap3A_472, %swap3A_473] {strides = array<i32>} : memref<64x512xf32, #tpu.memory_space<vmem>>, vector<16xf32>,
      tpu.vector_store %arg5[%swap3A_472, %swap3A_473], %min3A_470 {strides = array<i32>} : memref<64x512xf32, #tpu.memory_space<vmem>>, vector<16xf32>,
      %min3A_475 = arith.minimumf %get3A_129, %get3A_161 : vector<16xf32>
      %swap3A_476 = arith.constant 63 : i32
      %swap3A_477 = arith.index_cast %swap3A_476 : i32 to index
      %swap3A_478 = arith.index_cast %mul3A_98 : i32 to index
      %swap3A_479 = tpu.vector_load %arg5[%swap3A_477, %swap3A_478] {strides = array<i32>} : memref<64x512xf32, #tpu.memory_space<vmem>>, vector<16xf32>,
      tpu.vector_store %arg5[%swap3A_477, %swap3A_478], %min3A_475 {strides = array<i32>} : memref<64x512xf32, #tpu.memory_space<vmem>>, vector<16xf32>,
    }
    %scan3A_63 = arith.constant 16 : i32
    %add3A_64 = arith.constant 256 : i32
    %add3A_65 = arith.addi %mul3A_2, %add3A_64 : i32
    %dma_start3A_66 = arith.constant 0 : i32
    %dma_start3A_67 = arith.constant 256 : i32
    %dma_start3A_68 = tpu.memref_slice %arg5[%dma_start3A_66, %dma_start3A_67] : memref<64x512xf32, #tpu.memory_space<vmem>> -> memref<64x256xf32, #tpu.memory_space<vmem>>
    %dma_start3A_69 = arith.constant 0 : i32
    %dma_start3A_70 = tpu.memref_slice %arg3[%dma_start3A_69, %add3A_65] : memref<64x16384xf32, #tpu.memory_space<hbm>> -> memref<64x256xf32, #tpu.memory_space<hbm>>
    %dma_start3A_71 = arith.constant 0 : i32
    %dma_start3A_72 = tpu.memref_slice %arg3[%dma_start3A_71, %add3A_65] : memref<64x16384xf32, #tpu.memory_space<hbm>> -> memref<64x256xf32, #tpu.memory_space<hbm>>
    %dma_start3A_73 = arith.constant 0 : i32
    %dma_start3A_74 = arith.constant 256 : i32
    %dma_start3A_75 = tpu.memref_slice %arg5[%dma_start3A_73, %dma_start3A_74] : memref<64x512xf32, #tpu.memory_space<vmem>> -> memref<64x256xf32, #tpu.memory_space<vmem>>
    tpu.enqueue_dma source(%dma_start3A_75 : memref<64x256xf32, #tpu.memory_space<vmem>>) target(%dma_start3A_72 : memref<64x256xf32, #tpu.memory_space<hbm>>) target_semaphore(%arg9 : memref<!tpu.dma_semaphore, #tpu.memory_space<semaphore_mem>>)
    %dma_wait3A_76 = arith.constant 0 : i32
    %dma_wait3A_77 = arith.constant 0 : i32
    %dma_wait3A_78 = tpu.memref_slice %arg5[%dma_wait3A_76, %dma_wait3A_77] : memref<64x512xf32, #tpu.memory_space<vmem>> -> memref<64x256xf32, #tpu.memory_space<vmem>>
    %dma_wait3A_79 = arith.constant 0 : i32
    %dma_wait3A_80 = tpu.memref_slice %arg3[%dma_wait3A_79, %mul3A_2] : memref<64x16384xf32, #tpu.memory_space<hbm>> -> memref<64x256xf32, #tpu.memory_space<hbm>>
    %dma_wait3A_81 = arith.constant 0 : i32
    %dma_wait3A_82 = tpu.memref_slice %arg3[%dma_wait3A_81, %mul3A_2] : memref<64x16384xf32, #tpu.memory_space<hbm>> -> memref<64x256xf32, #tpu.memory_space<hbm>>
    %dma_wait3A_83 = arith.constant 0 : i32
    %dma_wait3A_84 = arith.constant 0 : i32
    %dma_wait3A_85 = tpu.memref_slice %arg5[%dma_wait3A_83, %dma_wait3A_84] : memref<64x512xf32, #tpu.memory_space<vmem>> -> memref<64x256xf32, #tpu.memory_space<vmem>>
    tpu.wait_dma2 semaphore(%arg8 : memref<!tpu.dma_semaphore, #tpu.memory_space<semaphore_mem>>) src(%dma_wait3A_85 : memref<64x256xf32, #tpu.memory_space<vmem>>) dst(%dma_wait3A_82 : memref<64x256xf32, #tpu.memory_space<hbm>>)
    %dma_wait3A_86 = arith.constant 0 : i32
    %dma_wait3A_87 = arith.constant 256 : i32
    %dma_wait3A_88 = tpu.memref_slice %arg5[%dma_wait3A_86, %dma_wait3A_87] : memref<64x512xf32, #tpu.memory_space<vmem>> -> memref<64x256xf32, #tpu.memory_space<vmem>>
    %dma_wait3A_89 = arith.constant 0 : i32
    %dma_wait3A_90 = tpu.memref_slice %arg3[%dma_wait3A_89, %add3A_65] : memref<64x16384xf32, #tpu.memory_space<hbm>> -> memref<64x256xf32, #tpu.memory_space<hbm>>
    %dma_wait3A_91 = arith.constant 0 : i32
    %dma_wait3A_92 = tpu.memref_slice %arg3[%dma_wait3A_91, %add3A_65] : memref<64x16384xf32, #tpu.memory_space<hbm>> -> memref<64x256xf32, #tpu.memory_space<hbm>>
    %dma_wait3A_93 = arith.constant 0 : i32
    %dma_wait3A_94 = arith.constant 256 : i32
    %dma_wait3A_95 = tpu.memref_slice %arg5[%dma_wait3A_93, %dma_wait3A_94] : memref<64x512xf32, #tpu.memory_space<vmem>> -> memref<64x256xf32, #tpu.memory_space<vmem>>
    tpu.wait_dma2 semaphore(%arg9 : memref<!tpu.dma_semaphore, #tpu.memory_space<semaphore_mem>>) src(%dma_wait3A_95 : memref<64x256xf32, #tpu.memory_space<vmem>>) dst(%dma_wait3A_92 : memref<64x256xf32, #tpu.memory_space<hbm>>)
    return
  }
}

</mosaic_0001>

<sc_bundles>
// kernel: _run.3.cloned.1.call-start
scs
__scs_entry_jumppad:
0x0: {  	(pc) =	sbr.rel $0x88, $3  }
0x1: {  	(tag) =	ssettag $0x0;
	lr =	simm.s32 $0x1  }
0x2: {  	[smem:$0x3FA0] =	sst lr;
	_ =	strace $0xD0000000  }
0x3: {  	_ = 	snop  }
0x4: {  	_ = 	snop  }
0x5: {  	_ = 	snop  }
0x6: {  	_ = 	snop  }
0x7: {  	_ = 	snop  }
__scs_overlays_trampoline_lowered:
0x8: {  	[smem:$0x3FAF] =	sst s0  }
0x9: {  	[smem:$0x3FB0] =	sst s1  }
0xa: {  	[smem:$0x3FB1] =	sst s2  }
0xb: {  	[smem:$0x3FB2] =	sst s3  }
0xc: {  	[smem:$0x3FB3] =	sst s4  }
0xd: {  	[smem:$0x3FB4] =	sst s5  }
0xe: {  	[smem:$0x3FB5] =	sst s6  }
0xf: {  	[smem:$0x3FB6] =	sst s7  }
0x10: {  	[smem:$0x3FB7] =	sst s8  }
0x11: {  	[smem:$0x3FB8] =	sst s9;
	s0 =	simm.s32 @!p0 $0x0  }
0x12: {  	s1 =	sld [smem:$0x3F9E];
	s0 =	simm.s32 @p0 $0x1  }
0x13: {  	[smem:$0x3FB9] =	sst s0;
	s0 =	simm.s32 @!p1 $0x0  }
0x14: {  	s2 =	sld [smem:$0x3F9D];
	s0 =	simm.s32 @p1 $0x1  }
0x15: {  	[smem:$0x3FBA] =	sst s0;
	s0 =	simm.s32 @!p2 $0x0  }
0x16: {  	s3 =	sld [smem:$0x3FDB];
	s0 =	simm.s32 @p2 $0x1  }
0x17: {  	s4 =	simm.s32 $0x1BF5;
	[smem:$0x3FBC] =	sst s0  }
0x18: {  	s0 =	sld [smem:$0x3F9F];
	_ =	swait.ge [sflag:s4], $0x0  }
0x19: {  	s7 =	sld [smem:$0x3FA0]  }
0x1a: {  	s8 =	sadd.s32 $0xFFFFE003, lr  }
0x1b: {  	s9 =	sadd.s32 $0xFFFFFEF7, lr;
	s5 =	simm.s32 $0xFFFFFFFF;
	p2 =	slt.u32 s8, $0xFFFFF086  }
0x1c: {  	p1 =	slt.u32 s9, $0xF7A;
	s5 =	simm.s32 @!p2 $0x0  }
0x1d: {  	s5 =	simm.s32 @p1 $0x1;
	p0 =	seq.s32 s7, s2  }
0x1e: {  	s7 =	smul.u32 @!p0 $0xF7A, s2;
	p2 =	seq.s32 @!p0 s5, $0x0  }
0x1f: {  	s9 =	smul.u32 $0xF7A, s1;
	s8 =	simm.s32 @!p0 $0x1BF5;
	p2 =	por !p2, p0  }
0x20: {  	[sflag:s8] =	ssyncset.s32 @!p0 $0xFFFFF086;
	s6 =	sadd.s32 @!p0 s3, s7;
	s7 =	simm.s32 @!p0 $0x108  }
0x21: {  	s3 =	sadd.s32 s3, s9;
	s6 =	sadd.s32 @!p0 $0x88, s6;
	s7 =	simm.s32 @p2 $0x1082  }
0x22: {  	[simem:s7], [sflag:s8] =	dma.local @!p0 [hbm:s6], $0xF7A  }
0x23: {  	s9 =	sor.u32 $0xD0000000, s2;
	s6 =	simm.s32 $0x108;
	_ =	swait.ge @!p0 [sflag:s8], $0x0  }
0x24: {  	s3 =	sadd.s32 $0x88, s3;
	s6 =	simm.s32 @!p1 $0x1082;
	[sflag:s4] =	ssyncset.s32 $0xFFFFF086  }
0x25: {  	[simem:s6], [sflag:s4] =	dma.local [hbm:s3], $0xF7A  }
0x26: {  	[smem:$0x3FA0] =	sst s1;
	(tag) =	ssettag s2;
	_ =	strace s9  }
0x27: {  	s1 =	sld [smem:$0x3FB0]  }
0x28: {  	s2 =	sld [smem:$0x3FB1]  }
0x29: {  	s4 =	sld [smem:$0x3FB3]  }
0x2a: {  	p0 =	seq.s32 s5, $0x0;
	s5 =	sld [smem:$0x3FB4]  }
0x2b: {  	s6 =	sld [smem:$0x3FB5]  }
0x2c: {  	s7 =	sld [smem:$0x3FB6]  }
0x2d: {  	s3 =	simm.s32 $0x108;
	s8 =	sld [smem:$0x3FB7]  }
0x2e: {  	s3 =	simm.s32 @!p0 $0x1082;
	s9 =	sld [smem:$0x3FB8]  }
0x2f: {  	lr =	sadd.s32 s0, s3;
	s0 =	sld [smem:$0x3FAF]  }
0x30: {  	s3 =	sld [smem:$0x3FB2]  }
0x31: {  	[smem:$0x3FBB] =	sst s10  }
0x32: {  	s10 =	sld [smem:$0x3FB9];
	_ =	sdelay $0x3  }
0x33: {  	p0 =	seq.s32 s10, $0x1;
	s10 =	sld [smem:$0x3FBB];
	_ =	sdelay $0x3  }
0x34: {  	[smem:$0x3FBB] =	sst s10  }
0x35: {  	s10 =	sld [smem:$0x3FBA];
	_ =	sdelay $0x3  }
0x36: {  	p1 =	seq.s32 s10, $0x1;
	s10 =	sld [smem:$0x3FBB];
	_ =	sdelay $0x3  }
0x37: {  	[smem:$0x3FBB] =	sst s10  }
0x38: {  	s10 =	sld [smem:$0x3FBC]  }
0x39: {  	_ = 	snop;
	(pc) =	sbr.ind lr, $3  }
0x3a: {  	_ = 	snop  }
0x3b: {  	_ = 	snop  }
0x3c: {  	p2 =	seq.s32 s10, $0x1;
	s10 =	sld [smem:$0x3FBB]  }
0x3d: {  	_ =	shalt  }
0x3e: {  	_ =	shalt  }
0x3f: {  	_ =	shalt  }
0x40: {  	_ =	shalt  }
0x41: {  	_ =	shalt  }
0x42: {  	_ =	shalt  }
0x43: {  	_ =	shalt  }
0x44: {  	_ =	shalt  }
0x45: {  	_ =	shalt  }
0x46: {  	_ =	shalt  }
0x47: {  	_ =	shalt  }
0x48: {  	_ =	shalt  }
0x49: {  	_ =	shalt  }
0x4a: {  	_ =	shalt  }
0x4b: {  	_ =	shalt  }
0x4c: {  	_ =	shalt  }
0x4d: {  	_ =	shalt  }
0x4e: {  	_ =	shalt  }
0x4f: {  	_ =	shalt  }
0x50: {  	_ =	shalt  }
0x51: {  	_ =	shalt  }
0x52: {  	_ =	shalt  }
0x53: {  	_ =	shalt  }
0x54: {  	_ =	shalt  }
0x55: {  	_ =	shalt  }
0x56: {  	_ =	shalt  }
0x57: {  	_ =	shalt  }
0x58: {  	_ =	shalt  }
0x59: {  	_ =	shalt  }
0x5a: {  	_ =	shalt  }
0x5b: {  	_ =	shalt  }
0x5c: {  	_ =	shalt  }
0x5d: {  	_ =	shalt  }
0x5e: {  	_ =	shalt  }
0x5f: {  	_ =	shalt  }
0x60: {  	_ =	shalt  }
0x61: {  	_ =	shalt  }
0x62: {  	_ =	shalt  }
0x63: {  	_ =	shalt  }
0x64: {  	_ =	shalt  }
0x65: {  	_ =	shalt  }
0x66: {  	_ =	shalt  }
0x67: {  	_ =	shalt  }
0x68: {  	_ =	shalt  }
0x69: {  	_ =	shalt  }
0x6a: {  	_ =	shalt  }
0x6b: {  	_ =	shalt  }
0x6c: {  	_ =	shalt  }
0x6d: {  	_ =	shalt  }
0x6e: {  	_ =	shalt  }
0x6f: {  	_ =	shalt  }
0x70: {  	_ =	shalt  }
0x71: {  	_ =	shalt  }
0x72: {  	_ =	shalt  }
0x73: {  	_ =	shalt  }
0x74: {  	_ =	shalt  }
0x75: {  	_ =	shalt  }
0x76: {  	_ =	shalt  }
0x77: {  	_ =	shalt  }
0x78: {  	_ =	shalt  }
0x79: {  	_ =	shalt  }
0x7a: {  	_ =	shalt  }
0x7b: {  	_ =	shalt  }
0x7c: {  	_ =	shalt  }
0x7d: {  	_ =	shalt  }
0x7e: {  	_ =	shalt  }
0x7f: {  	_ =	shalt  }
0x80: {  	_ =	shalt  }
0x81: {  	_ =	shalt  }
0x82: {  	_ =	shalt  }
0x83: {  	_ =	shalt  }
0x84: {  	_ =	shalt  }
0x85: {  	_ =	shalt  }
0x86: {  	_ =	shalt  }
0x87: {  	_ =	shalt  }
.Lfunc_end0:
.L_simem_size_0:
called_computation_lowered:
.L_overlay_start_0:
0x88: {  	s2 =	sld [smem:$0x3FD9]  }
0x89: {  	s3 =	sld [smem:$0x3FFE];
	_ =	sdelay $0x1  }
0x8a: {  	s1 =	srdreg.scid  }
0x8b: {  	s0 =	sand.u32 $0x1, s1  }
0x8c: {  	s18 =	sshll.u32 s0, $0xA;
	s2 =	sadd.s32 s3, s2  }
0x8d: {  	s2 =	sadd.s32 s2, s18  }
0x8e: {  	[smem:$0x3FC7] =	sst s2  }
0x8f: {  	_ = 	snop  }
0x90: {  	s2 =	sld [smem:$0x3FC9]  }
0x91: {  	s19 =	sld [smem:$0x3FD0];
	(tm) =	ssettm $0x1  }
0x92: {  	s4 =	sld [smem:$0x3FFB];
	_ =	sdelay $0x3  }
0x93: {  	_ =	strace s4  }
0x94: {  	s4 =	sld [smem:$0x3FFC];
	_ =	sdelay $0x3  }
0x95: {  	_ =	strace s4  }
0x96: {  	s4 =	sld [smem:$0x3FFD];
	_ =	sdelay $0x3  }
0x97: {  	_ =	strace s4  }
0x98: {  	_ =	strace $0x8FFFFFFF  }
0x99: {  	s20 =	sld [smem:$0x3FDB];
	_ =	sdelay $0x1  }
0x9a: {  	s5 =	simm.s32 $_scs_section_size  }
0x9b: {  	s6 =	simm.s32 $_size__tile_overlayer_lowered;
	s7 =	simm.s32 $_tile_overlayer_lowered  }
0x9c: {  	s23 =	simm.s32 $0x1BFF;
	s22 =	sshll.u32 s7, $0x1;
	s4 =	sadd.s32 s5, s20  }
0x9d: {  	s8 =	simm.s32 $0x0;
	s21 =	sshll.u32 s6, $0x1;
	s6 =	sadd.s32 s22, s4  }
0x9e: {  	[timem:s8], [sflag:s23] =	dma.local [hbm:s6], s21  }
0x9f: {  	_ =	swait.ge [sflag:s23], s21  }
0xa0: {  	s5 =	ssub.s32 $0x0, s21;
	[sflag:s23] =	ssyncset.done $0x0  }
0xa1: {  	[sflag:s23] =	ssyncadd.s32 s5;
	_ =	sdelay $0x1  }
0xa2: {  	s24 =	simm.s32 $0x1B8B  }
0xa3: {  	_ =	swait.ge [sflag:s24], $0x1  }
0xa4: {  	[sflag:s24] =	ssyncset.done $0x0  }
0xa5: {  	s25 =	simm.s32 $0x1B8E;
	[sflag:s24] =	ssyncadd.s32 $0xFFFFFFFF  }
0xa6: {  	s26 =	simm.s32 $execute0_lowered;
	[smem:$0x3FD2] =	sst s25  }
0xa7: {  	s5 =	sshll.u32 s26, $0x1;
	_ =	strace $0x80000046;
	[dreg:$0x1] =	wrdreg $0xFFFFFFFF  }
0xa8: {  	s28 =	simm.s32 $_size_execute0_lowered;
	s4 =	sadd.s32 s4, s5;
	[dreg:$0x0] =	wrdreg $0x0  }
0xa9: {  	s5 =	sshll.u32 s28, $0x1;
	[dreg:$0x2] =	wrdreg s4  }
0xaa: {  	[dreg:$0x3] =	wrdreg s5  }
0xab: {  	[dreg:$0x4] =	wrdreg $0xC0  }
0xac: {  	_ =	task [dreg:s8], $0x5FFFF  }
0xad: {  	[dreg:$0x1] =	wrdreg $0xFFFFFFFF  }
0xae: {  	[dreg:$0x0] =	wrdreg $0x60  }
0xaf: {  	[dreg:$0x2] =	wrdreg s2  }
0xb0: {  	[dreg:$0x3] =	wrdreg s19  }
0xb1: {  	[dreg:$0x4] =	wrdreg $0x9  }
0xb2: {  	_ =	task.clear_ibuf [dreg:s8], $0x5FFFF;
	_ =	strace $0x90000046  }
0xb3: {  	s29 =	simm.s32 $0x9;
	_ =	strace $0x80000048  }
0xb4: {  	_ =	swait.ge [sflag:s29], $0x1  }
0xb5: {  	[sflag:s29] =	ssyncadd.s32 $0xFFFFFFFF  }
0xb6: {  	_ =	strace $0x90000048  }
0xb7: {  	_ =	sfence  }
0xb8: {  	s30 =	sld [smem:$0x0];
	_ =	sdelay $0x2  }
0xb9: {  	s31 =	sshll.u32 s1, $0xD;
	s1 =	sshrl.u32 s1, $0x2  }
0xba: {  	s3 =	sand.u32 $0x4000, s31;
	s1 =	sadd.s32 s1, s30  }
0xbb: {  	s0 =	sor.u32 s3, s0;
	s1 =	sshll.u32 s1, $0x11  }
0xbc: {  	s0 =	sor.u32 s1, s0  }
0xbd: {  	s0 =	sadd.s32 $0x8F2B, s0  }
0xbe: {  	[sflag:s0] =	ssyncadd.remote.s32 $0x1  }
0xbf: {  	_ =	sfence.sel $0xFFFF  }
0xc0: {  	[dreg:$0x0] =	wrdreg $0xFFFFFFFF;
	(pc) =	sbr.abs _section_cstart, $3  }
0xc1: {  	[dreg:$0x1] =	wrdreg $0xFFFFFFFF  }
0xc2: {  	_ =	task.clear_ibuf [dreg:s8], $0x2FFFF;
	_ =	strace $0x9FFFFFFF  }
0xc3: {  	(tm) =	ssettm $0x7FFFFFFF  }
tec
execute0_lowered:
.L_overlay_start_1:
0x0: {  	(tag) =	ssettag $0x1  }
0x1: {  	s0 =	rddreg [dreg:$0x0]  }
0x2: {  	s1 =	rddreg [dreg:$0x1];
	s2 =	simm.s32 $0x0;
	s3 =	srdreg.scid  }
0x3: {  	s5 =	stileid.u32;
	s13 =	simm.s32 $0x1;
	s22 =	simm.s32 $0x2  }
0x4: {  	s24 =	simm.s32 $0x3800;
	s25 =	simm.s32 $0x4800;
	s28 =	simm.s32 $0x6800  }
0x5: {  	s29 =	simm.s32 $0x7800;
	s30 =	simm.s32 $0x8800;
	s31 =	simm.s32 $0x9800  }
0x6: {  	s10 =	simm.s32 $0x0;
	[smem:$0x7FF] =	sst s2;
	s3 =	sand.u32 $0x1, s3  }
0x7: {  	s5 =	sshll.u32 s5, $0xA;
	s4 =	ssub.s32 $0x2, s3;
	s3 =	sshll.u32 s3, $0x9  }
0x8: {  	_ =	strace $0x80000047;
	s6 =	sshrl.u32 s4, $0x1;
	s5 =	sor.u32 s3, s5  }
0x9: {  	s7 =	ssub.s32 s4, s6;
	s3 =	sadd.s32 s0, s5;
	s26 =	sor.u32 $0x100, s5  }
0xa: {  	s5 =	sadd.s32 s1, s5;
	s4 =	sadd.s32 s0, s26;
	s6 =	sadd.s32 s1, s26  }
0xb: {  	s7 =	smax.u32 s7, $0x1;
	s8 =	sadd.s32 $0x4000, s3;
	s26 =	simm.s32 $0x5800  }
0xc: {  	s0 =	simm.s32 $0x3;
	s1 =	simm.s32 $0x4;
	s9 =	sadd.s32 $0x4000, s4  }
.LBB2_1:
0xd: {  	[tilespmem:s2], [sflag:$0x1] =	stream.linear.gather [hbm4b:s3+s2], $0x800, $0x38;
	[tilespmem:$0xA000] =	vst v63  }
0xe: {  	s11 =	simm.s32 $0x1000  }
0xf: {  	[tilespmem:s11], [sflag:$0x1] =	stream.linear.gather [hbm4b:s8+s2], $0x800, $0x38;
	[tilespmem:$0xA000] =	vst v63  }
0x10: {  	s21 =	simm.s32 $0x800  }
0x11: {  	[tilespmem:s21], [sflag:$0x2] =	stream.linear.gather [hbm4b:s4+s2], $0x800, $0x38;
	[tilespmem:$0xA000] =	vst v63  }
0x12: {  	s23 =	simm.s32 $0x1800  }
0x13: {  	[tilespmem:s23], [sflag:$0x2] =	stream.linear.gather [hbm4b:s9+s2], $0x800, $0x38;
	[tilespmem:$0xA000] =	vst v63  }
0x14: {  	_ =	swait.ge [sflag:s13], $0x1000  }
0x15: {  	[sflag:s13] =	ssyncset.done $0x0  }
0x16: {  	s12 =	simm.s32 $0x0;
	s11 =	simm.s32 $0x0;
	[sflag:s13] =	ssyncadd.s32 $0xFFFFF000  }
.LBB2_2:
0x17: {  	s14 =	sand.u32 $0x70, s12;
	s16 =	sand.u32 $0x400, s11  }
0x18: {  	s14 =	sor.u32 s14, s16  }
0x19: {  	v1 =	vld [tilespmem:s14+$0x0]  }
0x1a: {  	s19 =	sor.u32 s12, s11;
	v3 =	vld [tilespmem:s14+$0x100]  }
0x1b: {  	s20 =	sor.u32 $0x380, s19;
	v5 =	vld [tilespmem:s14+$0x200]  }
0x1c: {  	v0 =	vld [tilespmem:s20+$0x0]  }
0x1d: {  	v8 =	vld [tilespmem:s14+$0x1000]  }
0x1e: {  	v10 =	vld [tilespmem:s14+$0x1100]  }
0x1f: {  	s15 =	sand.u32 $0xFFFFFC00, s11;
	s19 =	sor.u32 $0x1380, s19;
	v12 =	vld [tilespmem:s14+$0x1200]  }
0x20: {  	s15 =	sadd.s32 s15, s12;
	v14 =	vld [tilespmem:s19+$0x0]  }
0x21: {  	s21 =	sor.u32 $0x1080, s15;
	v16 =	vld [tilespmem:s14+$0x1300]  }
0x22: {  	s16 =	sor.u32 $0x80, s15;
	v9 =	vld [tilespmem:s21+$0x0]  }
0x23: {  	s23 =	sor.u32 $0x1180, s15;
	v2 =	vld [tilespmem:s16+$0x0]  }
0x24: {  	s17 =	sor.u32 $0x180, s15;
	v11 =	vld [tilespmem:s23+$0x0]  }
0x25: {  	s18 =	sor.u32 $0x280, s15;
	s15 =	sor.u32 $0x1280, s15;
	v4 =	vld [tilespmem:s17+$0x0]  }
0x26: {  	v13 =	vld [tilespmem:s15+$0x0];
	v15 =	vmin.f32 v1, v8  }
0x27: {  	v6 =	vld [tilespmem:s18+$0x0];
	[tilespmem:s14+$0x2000] =	vst v15;
	v51 =	vmin.f32 v1, v9  }
0x28: {  	v7 =	vld [tilespmem:s14+$0x300];
	v52 =	vmin.f32 v1, v10;
	[tilespmem:s16+$0x2000] =	vst v51  }
0x29: {  	v53 =	vmin.f32 v1, v11;
	[tilespmem:s14+$0x2100] =	vst v52  }
0x2a: {  	v54 =	vmin.f32 v1, v12;
	[tilespmem:s17+$0x2000] =	vst v53  }
0x2b: {  	v55 =	vmin.f32 v1, v13;
	[tilespmem:s14+$0x2200] =	vst v54  }
0x2c: {  	v56 =	vmin.f32 v1, v16;
	[tilespmem:s18+$0x2000] =	vst v55  }
0x2d: {  	v1 =	vmin.f32 v1, v14;
	[tilespmem:s14+$0x2300] =	vst v56  }
0x2e: {  	v57 =	vmin.f32 v2, v8;
	[tilespmem:s20+$0x2000] =	vst v1  }
0x2f: {  	v58 =	vmin.f32 v2, v9;
	[tilespmem:s14+$0x3000] =	vst v57  }
0x30: {  	v59 =	vmin.f32 v2, v10;
	[tilespmem:s21+$0x2000] =	vst v58  }
0x31: {  	v60 =	vmin.f32 v2, v11;
	[tilespmem:s14+$0x3100] =	vst v59  }
0x32: {  	v61 =	vmin.f32 v2, v12;
	[tilespmem:s23+$0x2000] =	vst v60  }
0x33: {  	v62 =	vmin.f32 v2, v13;
	[tilespmem:s14+$0x3200] =	vst v61  }
0x34: {  	v63 =	vmin.f32 v2, v16;
	[tilespmem:s15+$0x2000] =	vst v62  }
0x35: {  	v15 =	vmin.f32 v2, v14;
	[tilespmem:s14+$0x3300] =	vst v63  }
0x36: {  	v17 =	vmin.f32 v3, v8;
	[tilespmem:s19+$0x2000] =	vst v15  }
0x37: {  	v18 =	vmin.f32 v3, v9;
	[tilespmem:s14+$0x4000] =	vst v17  }
0x38: {  	v19 =	vmin.f32 v3, v10;
	[tilespmem:s14+$0x4080] =	vst v18  }
0x39: {  	v20 =	vmin.f32 v3, v11;
	[tilespmem:s14+$0x4100] =	vst v19  }
0x3a: {  	v21 =	vmin.f32 v3, v12;
	[tilespmem:s14+$0x4180] =	vst v20  }
0x3b: {  	v22 =	vmin.f32 v3, v13;
	[tilespmem:s14+$0x4200] =	vst v21  }
0x3c: {  	v23 =	vmin.f32 v3, v16;
	[tilespmem:s14+$0x4280] =	vst v22  }
0x3d: {  	v24 =	vmin.f32 v3, v14;
	[tilespmem:s14+$0x4300] =	vst v23  }
0x3e: {  	v25 =	vmin.f32 v4, v8;
	[tilespmem:s14+$0x4380] =	vst v24  }
0x3f: {  	v26 =	vmin.f32 v4, v9;
	[tilespmem:s14+$0x5000] =	vst v25  }
0x40: {  	v27 =	vmin.f32 v4, v10;
	[tilespmem:s14+$0x5080] =	vst v26  }
0x41: {  	v28 =	vmin.f32 v4, v11;
	[tilespmem:s14+$0x5100] =	vst v27  }
0x42: {  	v29 =	vmin.f32 v4, v12;
	[tilespmem:s14+$0x5180] =	vst v28  }
0x43: {  	v30 =	vmin.f32 v4, v13;
	[tilespmem:s14+$0x5200] =	vst v29  }
0x44: {  	v31 =	vmin.f32 v4, v16;
	[tilespmem:s14+$0x5280] =	vst v30  }
0x45: {  	v32 =	vmin.f32 v4, v14;
	[tilespmem:s14+$0x5300] =	vst v31  }
0x46: {  	v33 =	vmin.f32 v5, v8;
	[tilespmem:s14+$0x5380] =	vst v32  }
0x47: {  	v34 =	vmin.f32 v5, v9;
	[tilespmem:s14+$0x6000] =	vst v33  }
0x48: {  	v35 =	vmin.f32 v5, v10;
	[tilespmem:s14+$0x6080] =	vst v34  }
0x49: {  	v36 =	vmin.f32 v5, v11;
	[tilespmem:s14+$0x6100] =	vst v35  }
0x4a: {  	v37 =	vmin.f32 v5, v12;
	[tilespmem:s14+$0x6180] =	vst v36  }
0x4b: {  	v38 =	vmin.f32 v5, v13;
	[tilespmem:s14+$0x6200] =	vst v37  }
0x4c: {  	v39 =	vmin.f32 v5, v16;
	[tilespmem:s14+$0x6280] =	vst v38  }
0x4d: {  	v40 =	vmin.f32 v5, v14;
	[tilespmem:s14+$0x6300] =	vst v39  }
0x4e: {  	v41 =	vmin.f32 v6, v8;
	[tilespmem:s14+$0x6380] =	vst v40  }
0x4f: {  	v42 =	vmin.f32 v6, v9;
	[tilespmem:s14+$0x7000] =	vst v41  }
0x50: {  	v43 =	vmin.f32 v6, v10;
	[tilespmem:s14+$0x7080] =	vst v42  }
0x51: {  	v44 =	vmin.f32 v6, v11;
	[tilespmem:s14+$0x7100] =	vst v43  }
0x52: {  	v45 =	vmin.f32 v6, v12;
	[tilespmem:s14+$0x7180] =	vst v44  }
0x53: {  	v46 =	vmin.f32 v6, v13;
	[tilespmem:s14+$0x7200] =	vst v45  }
0x54: {  	v47 =	vmin.f32 v6, v16;
	[tilespmem:s14+$0x7280] =	vst v46  }
0x55: {  	v48 =	vmin.f32 v6, v14;
	[tilespmem:s14+$0x7300] =	vst v47  }
0x56: {  	v49 =	vmin.f32 v7, v8;
	[tilespmem:s14+$0x7380] =	vst v48  }
0x57: {  	v50 =	vmin.f32 v7, v9;
	[tilespmem:s14+$0x8000] =	vst v49  }
0x58: {  	v51 =	vmin.f32 v7, v10;
	[tilespmem:s14+$0x8080] =	vst v50  }
0x59: {  	v52 =	vmin.f32 v7, v11;
	[tilespmem:s14+$0x8100] =	vst v51  }
0x5a: {  	v53 =	vmin.f32 v7, v12;
	[tilespmem:s14+$0x8180] =	vst v52  }
0x5b: {  	v54 =	vmin.f32 v7, v13;
	[tilespmem:s14+$0x8200] =	vst v53  }
0x5c: {  	v55 =	vmin.f32 v7, v16;
	[tilespmem:s14+$0x8280] =	vst v54  }
0x5d: {  	v56 =	vmin.f32 v7, v14;
	[tilespmem:s14+$0x8300] =	vst v55  }
0x5e: {  	v57 =	vmin.f32 v0, v8;
	[tilespmem:s14+$0x8380] =	vst v56  }
0x5f: {  	v58 =	vmin.f32 v0, v9;
	[tilespmem:s14+$0x9000] =	vst v57  }
0x60: {  	v59 =	vmin.f32 v0, v10;
	[tilespmem:s14+$0x9080] =	vst v58  }
0x61: {  	p0 =	sne.s32 s12, $0xF0;
	v60 =	vmin.f32 v0, v11;
	[tilespmem:s14+$0x9100] =	vst v59  }
.Ltmp0:
0x62: {  	v61 =	vmin.f32 v0, v12;
	[tilespmem:s14+$0x9180] =	vst v60;
	(pc) =	sbr.rel @p0 .LBB2_2-.Ltmp0, $4  }
0x63: {  	v62 =	vmin.f32 v0, v13;
	[tilespmem:s14+$0x9200] =	vst v61  }
0x64: {  	v63 =	vmin.f32 v0, v16;
	[tilespmem:s14+$0x9280] =	vst v62  }
0x65: {  	v0 =	vmin.f32 v0, v14;
	[tilespmem:s14+$0x9300] =	vst v63  }
0x66: {  	s11 =	sadd.s32 $0x80, s11;
	s12 =	sadd.s32 $0x10, s12;
	[tilespmem:s14+$0x9380] =	vst v0  }
0x67: {  	s11 =	simm.s32 $0x2000  }
0x68: {  	[hbm4b:s5+s2] =	stream.linear.scatter [tilespmem:s11], [sflag:$0x3], $0x800, $0x38;
	[tilespmem:$0xA000] =	vst v63  }
0x69: {  	s20 =	sadd.s32 $0x4000, s5;
	s12 =	simm.s32 $0x3000  }
0x6a: {  	[hbm4b:s20+s2] =	stream.linear.scatter [tilespmem:s12], [sflag:$0x3], $0x800, $0x38;
	[tilespmem:$0xA000] =	vst v63  }
0x6b: {  	s21 =	sadd.s32 $0x8000, s5;
	s23 =	simm.s32 $0x4000  }
0x6c: {  	[hbm4b:s21+s2] =	stream.linear.scatter [tilespmem:s23], [sflag:$0x3], $0x800, $0x38;
	[tilespmem:$0xA000] =	vst v63  }
0x6d: {  	s14 =	simm.s32 $0x5000;
	s12 =	sadd.s32 $0xC000, s5  }
0x6e: {  	[hbm4b:s12+s2] =	stream.linear.scatter [tilespmem:s14], [sflag:$0x3], $0x800, $0x38;
	[tilespmem:$0xA000] =	vst v63  }
0x6f: {  	s15 =	sadd.s32 $0x10000, s5;
	s16 =	simm.s32 $0x6000  }
0x70: {  	[hbm4b:s15+s2] =	stream.linear.scatter [tilespmem:s16], [sflag:$0x3], $0x800, $0x38;
	[tilespmem:$0xA000] =	vst v63  }
0x71: {  	s17 =	sadd.s32 $0x14000, s5;
	s18 =	simm.s32 $0x7000  }
0x72: {  	[hbm4b:s17+s2] =	stream.linear.scatter [tilespmem:s18], [sflag:$0x3], $0x800, $0x38;
	[tilespmem:$0xA000] =	vst v63  }
0x73: {  	s19 =	sadd.s32 $0x18000, s5;
	s20 =	simm.s32 $0x8000  }
0x74: {  	[hbm4b:s19+s2] =	stream.linear.scatter [tilespmem:s20], [sflag:$0x3], $0x800, $0x38;
	[tilespmem:$0xA000] =	vst v63  }
0x75: {  	s21 =	sadd.s32 $0x1C000, s5;
	s23 =	simm.s32 $0x9000  }
0x76: {  	[hbm4b:s21+s2] =	stream.linear.scatter [tilespmem:s23], [sflag:$0x3], $0x800, $0x38;
	[tilespmem:$0xA000] =	vst v63  }
0x77: {  	_ =	swait.ge [sflag:s22], $0x1000  }
0x78: {  	[sflag:s22] =	ssyncset.done $0x0  }
0x79: {  	s11 =	simm.s32 $0x100;
	s12 =	simm.s32 $0x800;
	[sflag:s22] =	ssyncadd.s32 $0xFFFFF000  }
.LBB2_4:
0x7a: {  	s14 =	sand.u32 $0x70, s11;
	s15 =	sand.u32 $0xC00, s12  }
0x7b: {  	s14 =	sor.u32 s14, s15  }
0x7c: {  	v2 =	vld [tilespmem:s14+$0x0]  }
0x7d: {  	s17 =	sor.u32 s11, s12;
	v3 =	vld [tilespmem:s14+$0x80]  }
0x7e: {  	s18 =	sor.u32 $0x380, s17;
	v4 =	vld [tilespmem:s14+$0x100]  }
0x7f: {  	v0 =	vld [tilespmem:s18+$0x0]  }
0x80: {  	v7 =	vld [tilespmem:s14+$0x1000]  }
0x81: {  	v8 =	vld [tilespmem:s14+$0x1080]  }
0x82: {  	s23 =	sand.u32 $0xFFFFFC00, s12;
	v9 =	vld [tilespmem:s14+$0x1100]  }
0x83: {  	s15 =	sadd.s32 s11, s23;
	v11 =	vld [tilespmem:s14+$0x1200]  }
0x84: {  	s16 =	sor.u32 $0x180, s15;
	s15 =	sor.u32 $0x1180, s15;
	v12 =	vld [tilespmem:s14+$0x1280]  }
0x85: {  	s17 =	sor.u32 $0x1380, s17;
	v10 =	vld [tilespmem:s15+$0x0]  }
0x86: {  	v1 =	vld [tilespmem:s17+$0x0]  }
0x87: {  	v14 =	vld [tilespmem:s14+$0x1300];
	v13 =	vmin.f32 v2, v7  }
0x88: {  	v5 =	vld [tilespmem:s16+$0x0];
	v51 =	vmin.f32 v2, v8;
	[tilespmem:s14+$0x2000] =	vst v13  }
0x89: {  	v6 =	vld [tilespmem:s14+$0x200];
	v52 =	vmin.f32 v2, v9;
	[tilespmem:s14+$0x2080] =	vst v51  }
0x8a: {  	v15 =	vld [tilespmem:s14+$0x280];
	[tilespmem:s14+$0x2100] =	vst v52;
	v53 =	vmin.f32 v2, v10  }
0x8b: {  	v16 =	vld [tilespmem:s14+$0x300];
	v54 =	vmin.f32 v2, v11;
	[tilespmem:s16+$0x2000] =	vst v53  }
0x8c: {  	v55 =	vmin.f32 v2, v12;
	[tilespmem:s14+$0x2200] =	vst v54  }
0x8d: {  	v56 =	vmin.f32 v2, v14;
	[tilespmem:s14+$0x2280] =	vst v55  }
0x8e: {  	v2 =	vmin.f32 v2, v1;
	[tilespmem:s14+$0x2300] =	vst v56  }
0x8f: {  	v57 =	vmin.f32 v3, v7;
	[tilespmem:s18+$0x2000] =	vst v2  }
0x90: {  	v58 =	vmin.f32 v3, v8;
	[tilespmem:s14+$0x3000] =	vst v57  }
0x91: {  	v59 =	vmin.f32 v3, v9;
	[tilespmem:s14+$0x3080] =	vst v58  }
0x92: {  	v60 =	vmin.f32 v3, v10;
	[tilespmem:s14+$0x3100] =	vst v59  }
0x93: {  	v61 =	vmin.f32 v3, v11;
	[tilespmem:s15+$0x2000] =	vst v60  }
0x94: {  	v62 =	vmin.f32 v3, v12;
	[tilespmem:s14+$0x3200] =	vst v61  }
0x95: {  	v63 =	vmin.f32 v3, v14;
	[tilespmem:s14+$0x3280] =	vst v62  }
0x96: {  	v13 =	vmin.f32 v3, v1;
	[tilespmem:s14+$0x3300] =	vst v63  }
0x97: {  	v17 =	vmin.f32 v4, v7;
	[tilespmem:s17+$0x2000] =	vst v13  }
0x98: {  	v18 =	vmin.f32 v4, v8;
	[tilespmem:s14+$0x4000] =	vst v17  }
0x99: {  	v19 =	vmin.f32 v4, v9;
	[tilespmem:s14+$0x4080] =	vst v18  }
0x9a: {  	v20 =	vmin.f32 v4, v10;
	[tilespmem:s14+$0x4100] =	vst v19  }
0x9b: {  	v21 =	vmin.f32 v4, v11;
	[tilespmem:s14+$0x4180] =	vst v20  }
0x9c: {  	v22 =	vmin.f32 v4, v12;
	[tilespmem:s14+$0x4200] =	vst v21  }
0x9d: {  	v23 =	vmin.f32 v4, v14;
	[tilespmem:s14+$0x4280] =	vst v22  }
0x9e: {  	v24 =	vmin.f32 v4, v1;
	[tilespmem:s14+$0x4300] =	vst v23  }
0x9f: {  	v25 =	vmin.f32 v5, v7;
	[tilespmem:s14+$0x4380] =	vst v24  }
0xa0: {  	v26 =	vmin.f32 v5, v8;
	[tilespmem:s14+$0x5000] =	vst v25  }
0xa1: {  	v27 =	vmin.f32 v5, v9;
	[tilespmem:s14+$0x5080] =	vst v26  }
0xa2: {  	v28 =	vmin.f32 v5, v10;
	[tilespmem:s14+$0x5100] =	vst v27  }
0xa3: {  	v29 =	vmin.f32 v5, v11;
	[tilespmem:s14+$0x5180] =	vst v28  }
0xa4: {  	v30 =	vmin.f32 v5, v12;
	[tilespmem:s14+$0x5200] =	vst v29  }
0xa5: {  	v31 =	vmin.f32 v5, v14;
	[tilespmem:s14+$0x5280] =	vst v30  }
0xa6: {  	v32 =	vmin.f32 v5, v1;
	[tilespmem:s14+$0x5300] =	vst v31  }
0xa7: {  	v33 =	vmin.f32 v6, v7;
	[tilespmem:s14+$0x5380] =	vst v32  }
0xa8: {  	v34 =	vmin.f32 v6, v8;
	[tilespmem:s14+$0x6000] =	vst v33  }
0xa9: {  	v35 =	vmin.f32 v6, v9;
	[tilespmem:s14+$0x6080] =	vst v34  }
0xaa: {  	v36 =	vmin.f32 v6, v10;
	[tilespmem:s14+$0x6100] =	vst v35  }
0xab: {  	v37 =	vmin.f32 v6, v11;
	[tilespmem:s14+$0x6180] =	vst v36  }
0xac: {  	v38 =	vmin.f32 v6, v12;
	[tilespmem:s14+$0x6200] =	vst v37  }
0xad: {  	v39 =	vmin.f32 v6, v14;
	[tilespmem:s14+$0x6280] =	vst v38  }
0xae: {  	v40 =	vmin.f32 v6, v1;
	[tilespmem:s14+$0x6300] =	vst v39  }
0xaf: {  	v41 =	vmin.f32 v15, v7;
	[tilespmem:s14+$0x6380] =	vst v40  }
0xb0: {  	v42 =	vmin.f32 v15, v8;
	[tilespmem:s14+$0x7000] =	vst v41  }
0xb1: {  	v43 =	vmin.f32 v15, v9;
	[tilespmem:s14+$0x7080] =	vst v42  }
0xb2: {  	v44 =	vmin.f32 v15, v10;
	[tilespmem:s14+$0x7100] =	vst v43  }
0xb3: {  	v45 =	vmin.f32 v15, v11;
	[tilespmem:s14+$0x7180] =	vst v44  }
0xb4: {  	v46 =	vmin.f32 v15, v12;
	[tilespmem:s14+$0x7200] =	vst v45  }
0xb5: {  	v47 =	vmin.f32 v15, v14;
	[tilespmem:s14+$0x7280] =	vst v46  }
0xb6: {  	v48 =	vmin.f32 v15, v1;
	[tilespmem:s14+$0x7300] =	vst v47  }
0xb7: {  	v49 =	vmin.f32 v16, v7;
	[tilespmem:s14+$0x7380] =	vst v48  }
0xb8: {  	v50 =	vmin.f32 v16, v8;
	[tilespmem:s14+$0x8000] =	vst v49  }
0xb9: {  	v51 =	vmin.f32 v16, v9;
	[tilespmem:s14+$0x8080] =	vst v50  }
0xba: {  	v52 =	vmin.f32 v16, v10;
	[tilespmem:s14+$0x8100] =	vst v51  }
0xbb: {  	v53 =	vmin.f32 v16, v11;
	[tilespmem:s14+$0x8180] =	vst v52  }
0xbc: {  	v54 =	vmin.f32 v16, v12;
	[tilespmem:s14+$0x8200] =	vst v53  }
0xbd: {  	v55 =	vmin.f32 v16, v14;
	[tilespmem:s14+$0x8280] =	vst v54  }
0xbe: {  	v56 =	vmin.f32 v16, v1;
	[tilespmem:s14+$0x8300] =	vst v55  }
0xbf: {  	v57 =	vmin.f32 v0, v7;
	[tilespmem:s14+$0x8380] =	vst v56  }
0xc0: {  	v58 =	vmin.f32 v0, v8;
	[tilespmem:s14+$0x9000] =	vst v57  }
0xc1: {  	v59 =	vmin.f32 v0, v9;
	[tilespmem:s14+$0x9080] =	vst v58  }
0xc2: {  	p0 =	sne.s32 s11, $0x1F0;
	v60 =	vmin.f32 v0, v10;
	[tilespmem:s14+$0x9100] =	vst v59  }
.Ltmp1:
0xc3: {  	v61 =	vmin.f32 v0, v11;
	[tilespmem:s14+$0x9180] =	vst v60;
	(pc) =	sbr.rel @p0 .LBB2_4-.Ltmp1, $4  }
0xc4: {  	v62 =	vmin.f32 v0, v12;
	[tilespmem:s14+$0x9200] =	vst v61  }
0xc5: {  	v63 =	vmin.f32 v0, v14;
	[tilespmem:s14+$0x9280] =	vst v62  }
0xc6: {  	v0 =	vmin.f32 v0, v1;
	[tilespmem:s14+$0x9300] =	vst v63  }
0xc7: {  	s12 =	sadd.s32 $0x80, s12;
	s11 =	sadd.s32 $0x10, s11;
	[tilespmem:s14+$0x9380] =	vst v0  }
0xc8: {  	s11 =	simm.s32 $0x2800  }
0xc9: {  	[hbm4b:s6+s2] =	stream.linear.scatter [tilespmem:s11], [sflag:$0x4], $0x800, $0x38;
	[tilespmem:$0xA000] =	vst v63  }
0xca: {  	s16 =	sadd.s32 $0x4000, s6  }
0xcb: {  	[hbm4b:s16+s2] =	stream.linear.scatter [tilespmem:s24], [sflag:$0x4], $0x800, $0x38;
	[tilespmem:$0xA000] =	vst v63  }
0xcc: {  	s17 =	sadd.s32 $0x8000, s6  }
0xcd: {  	[hbm4b:s17+s2] =	stream.linear.scatter [tilespmem:s25], [sflag:$0x4], $0x800, $0x38;
	[tilespmem:$0xA000] =	vst v63  }
0xce: {  	s18 =	sadd.s32 $0xC000, s6  }
0xcf: {  	[hbm4b:s18+s2] =	stream.linear.scatter [tilespmem:s26], [sflag:$0x4], $0x800, $0x38;
	[tilespmem:$0xA000] =	vst v63  }
0xd0: {  	s19 =	sadd.s32 $0x10000, s6  }
0xd1: {  	[hbm4b:s19+s2] =	stream.linear.scatter [tilespmem:s28], [sflag:$0x4], $0x800, $0x38;
	[tilespmem:$0xA000] =	vst v63  }
0xd2: {  	s20 =	sadd.s32 $0x14000, s6  }
0xd3: {  	[hbm4b:s20+s2] =	stream.linear.scatter [tilespmem:s29], [sflag:$0x4], $0x800, $0x38;
	[tilespmem:$0xA000] =	vst v63  }
0xd4: {  	s21 =	sadd.s32 $0x18000, s6  }
0xd5: {  	[hbm4b:s21+s2] =	stream.linear.scatter [tilespmem:s30], [sflag:$0x4], $0x800, $0x38;
	[tilespmem:$0xA000] =	vst v63  }
0xd6: {  	s23 =	sadd.s32 $0x1C000, s6;
	s10 =	sadd.s32 $0x1, s10  }
0xd7: {  	[hbm4b:s23+s2] =	stream.linear.scatter [tilespmem:s31], [sflag:$0x4], $0x800, $0x38;
	[tilespmem:$0xA000] =	vst v63  }
0xd8: {  	p0 =	sne.s32 s10, s7;
	_ =	swait.ge [sflag:s0], $0x4000  }
.Ltmp2:
0xd9: {  	[sflag:s0] =	ssyncset.done $0x0;
	(pc) =	sbr.rel @p0 .LBB2_1-.Ltmp2, $4  }
0xda: {  	[sflag:s0] =	ssyncadd.s32 $0xFFFFC000  }
0xdb: {  	_ =	swait.ge [sflag:s1], $0x4000  }
0xdc: {  	[sflag:s1] =	ssyncset.done $0x0  }
0xdd: {  	[sflag:s1] =	ssyncadd.s32 $0xFFFFC000  }
0xde: {  	_ =	sfence.sel $0x180000  }
0xdf: {  	[bflag:$0x0] =	sbarrier.arrive $0xFFFF  }
0xe0: {  	_ =	strace $0x90000047  }
0xe1: {  	s0 =	stileid.u32;
	[bflag:$0x2] =	sbarrier.arrive $0xFFFF  }
0xe2: {  	p0 =	sne.s32 s0, $0x0;
	s0 =	rddreg [dreg:$0x2]  }
0xe3: {  	s0 =	sadd.s32 @!p0 $0x100000, s0  }
0xe4: {  	[sflag:s0] =	ssyncadd.tile.s32 @!p0 $0x1;
	_ =	shalt  }
.Lfunc_end2:
_tile_overlayer_lowered:
.L_overlay_start_2:
0xe5: {  	(tag) =	ssettag $0x2  }
0xe6: {  	s0 =	rddreg [dreg:$0x0];
	s2 =	stileid.u32  }
0xe7: {  	s1 =	rddreg [dreg:$0x1];
	p0 =	sne.s32 s2, $0x0  }
0xe8: {  	s3 =	rddreg [dreg:$0x2];
	[bflag:$0x3] =	sbarrier.arrive $0xFFFF;
	s2 =	simm.s32 @!p0 $0x1C05  }
0xe9: {  	[timem:s3], [sflag:s2] =	dma.local @!p0 [hbm:s0], s1  }
0xea: {  	s0 =	simm.s32 @!p0 $0x5  }
0xeb: {  	_ =	swait.ge @!p0 [sflag:s0], s1  }
0xec: {  	s1 =	ssub.s32 @!p0 $0x0, s1;
	[sflag:s0] =	ssyncset.done @!p0 $0x0  }
0xed: {  	[sflag:s0] =	ssyncadd.s32 @!p0 s1  }
0xee: {  	[bflag:$0x3] =	sbarrier.arrive $0xFFFF  }
0xef: {  	_ =	shalt  }

</sc_bundles>
